<compile_context>
chip_gen: v7x
topology: tpu7x:2x2x1
jax: 0.10.2.dev20260603
libtpu: 0.0.44.dev20260713+nightly
codegen_flags: <defaults>
</compile_context>

<pallas_src>
import jax
import jax.numpy as jnp
from jax.experimental import pallas as pl
from jax.experimental.pallas import tpu as pltpu

NUM_HEADS = 16
NUM_KV_HEADS = 4
HEAD_DIM = 128
SCALE = 0.08838834764831845
BQ = 256
GQ = 4 * BQ
NEG = -1e30


def _qk(qs, k_ref, g, ki):
    D = HEAD_DIM
    kk = k_ref[0, pl.ds(ki * BQ, BQ), g * D:(g + 1) * D]
    return jax.lax.dot_general(qs, kk, (((1,), (1,)), ((), ())),
                               preferred_element_type=jnp.float32)


def _flash_body(q_ref, k_ref, v_ref, o_ref):
    qi = pl.program_id(1)
    D = HEAD_DIM
    rep = NUM_HEADS // NUM_KV_HEADS
    r = jax.lax.broadcasted_iota(jnp.int32, (GQ, BQ), 0)
    c = jax.lax.broadcasted_iota(jnp.int32, (GQ, BQ), 1)
    tri = (r % BQ) >= c

    for g in range(NUM_KV_HEADS):
        qs = jnp.concatenate(
            [q_ref[0, :, (g * rep + j) * D:(g * rep + j + 1) * D]
             for j in range(rep)], axis=0)

        def update(carry, s, vv):
            m, l, acc = carry
            m_new = jnp.maximum(m, s.max(axis=1, keepdims=True))
            p = jnp.exp2(s - m_new)
            alpha = jnp.exp2(m - m_new)
            acc = acc * alpha + jax.lax.dot_general(
                p.astype(jnp.bfloat16), vv, (((1,), (0,)), ((), ())),
                preferred_element_type=jnp.float32)
            l = l * alpha + p.sum(axis=1, keepdims=True)
            return m_new, l, acc

        def step(ki, carry, qs=qs, g=g):
            m, l, acc, s = carry
            s_next = _qk(qs, k_ref, g, ki + 1)
            vv = v_ref[0, pl.ds(ki * BQ, BQ), g * D:(g + 1) * D]
            m, l, acc = update((m, l, acc), s, vv)
            return m, l, acc, s_next

        m0 = jnp.full((GQ, 1), NEG, jnp.float32)
        l0 = jnp.zeros((GQ, 1), jnp.float32)
        acc0 = jnp.zeros((GQ, D), jnp.float32)
        s0 = _qk(qs, k_ref, g, 0)
        m, l, acc, s = jax.lax.fori_loop(0, qi, step, (m0, l0, acc0, s0))

        s = jnp.where(tri, s, NEG)
        vv = v_ref[0, pl.ds(qi * BQ, BQ), g * D:(g + 1) * D]
        m, l, acc = update((m, l, acc), s, vv)

        out = acc / l
        for j in range(rep):
            h = g * rep + j
            o_ref[0, :, h * D:(h + 1) * D] = out[j * BQ:(j + 1) * BQ]


def kernel(q, k, v, cu_seqlens_q):
    B = int(cu_seqlens_q.shape[0]) - 1
    T = q.shape[0]
    S = T // B
    nq = S // BQ
    HD = NUM_HEADS * HEAD_DIM
    GD = NUM_KV_HEADS * HEAD_DIM

    qr = (q.reshape(B, S, HD) * (SCALE * 1.4426950408889634)).astype(jnp.bfloat16)
    kr = k.reshape(B, S, GD).astype(jnp.bfloat16)
    vr = v.reshape(B, S, GD).astype(jnp.bfloat16)

    ob = pl.pallas_call(
        _flash_body,
        grid=(B, nq),
        in_specs=[
            pl.BlockSpec((1, BQ, HD), lambda b, i: (b, i, 0)),
            pl.BlockSpec((1, S, GD), lambda b, i: (b, 0, 0)),
            pl.BlockSpec((1, S, GD), lambda b, i: (b, 0, 0)),
        ],
        out_specs=pl.BlockSpec((1, BQ, HD), lambda b, i: (b, i, 0)),
        out_shape=jax.ShapeDtypeStruct((B, S, HD), jnp.float32),
        compiler_params=pltpu.CompilerParams(
            dimension_semantics=("parallel", "arbitrary")),
    )(qr, kr, vr)

    return ob.reshape(T, NUM_HEADS, HEAD_DIM)

# --- scband reference (transcript-rebuilt; emitter-appended) ---
"""Pipeline reference for scband-attention-2748779070183 (READ-ONLY COPY).

The authoritative reference and input builder live on the scoring server;
editing this copy changes nothing except your own understanding.
"""

import jax, jax.numpy as jnp
import numpy as np

NUM_HEADS = 16
NUM_KV_HEADS = 4
HEAD_DIM = 128
SCALE = 0.08838834764831845  # 1/sqrt(128)
NEG_INF = jnp.float32(-1e30)


def setup_inputs(seed: int = 0) -> dict:
    key = jax.random.key(seed)
    k1, k2, k3 = jax.random.split(key, 3)
    B, S = 4, 1024
    T = B * S
    q = jax.random.normal(k1, (T, NUM_HEADS, HEAD_DIM), dtype=jnp.float32)
    k = jax.random.normal(k2, (T, NUM_KV_HEADS, HEAD_DIM), dtype=jnp.float32)
    v = jax.random.normal(k3, (T, NUM_KV_HEADS, HEAD_DIM), dtype=jnp.float32)
    cu_seqlens_q = jnp.arange(B + 1, dtype=jnp.int32) * S
    return {"q": q, "k": k, "v": v, "cu_seqlens_q": cu_seqlens_q}


def reference(q, k, v, cu_seqlens_q):
    # Prefill path of Attention.forward: block_tables is None and kv caches are
    # empty (self.k_cache = self.v_cache = torch.tensor([])), so the kv-cache
    # store / SnapKV selection branches are no-ops and the output equals
    # flash_attn_varlen_func(q, k, v, cu_seqlens, causal=True, softmax_scale=scale).
    # Sequences here are equal-length, so we fold the varlen layout into a batch.
    B = int(cu_seqlens_q.shape[0]) - 1
    T = q.shape[0]
    S = T // B
    rep = NUM_HEADS // NUM_KV_HEADS
    # GQA: repeat kv heads to match query heads (as in run_snapkv_selection / flash GQA)
    kf = jnp.repeat(k, rep, axis=1)   # [T, H, D]
    vf = jnp.repeat(v, rep, axis=1)   # [T, H, D]
    qb = q.reshape(B, S, NUM_HEADS, HEAD_DIM).transpose(0, 2, 1, 3)   # [B,H,S,D]
    kb = kf.reshape(B, S, NUM_HEADS, HEAD_DIM).transpose(0, 2, 1, 3)  # [B,H,S,D]
    vb = vf.reshape(B, S, NUM_HEADS, HEAD_DIM).transpose(0, 2, 1, 3)  # [B,H,S,D]
    logits = jnp.einsum('bhqd,bhkd->bhqk', qb, kb) * SCALE
    causal = jnp.tril(jnp.ones((S, S), dtype=bool))
    logits = jnp.where(causal[None, None, :, :], logits, NEG_INF)
    attn = jax.nn.softmax(logits, axis=-1)
    ob = jnp.einsum('bhqk,bhkd->bhqd', attn, vb)
    o = ob.transpose(0, 2, 1, 3).reshape(T, NUM_HEADS, HEAD_DIM)
    return o


if False:  # reference __main__ guard neutralized (emitter)
    inp = setup_inputs()
    out = reference(**inp)
    print(out.shape, out.dtype)

if __name__ == "__main__":
    import jax
    _d = setup_inputs()
    print(jax.jit(kernel)(*tuple(_d.values())))

</pallas_src>

<mosaic_0001>
module attributes {stable_mosaic.version = 14 : i64} {
  func.func @_flash_body(%arg0: i32, %arg1: i32, %arg2: memref<1x256x2048xbf16, #tpu.memory_space<vmem>>, %arg3: memref<1x1024x512xbf16, #tpu.memory_space<vmem>>, %arg4: memref<1x1024x512xbf16, #tpu.memory_space<vmem>>, %arg5: memref<1x256x2048xf32, #tpu.memory_space<vmem>>) attributes {dimension_semantics = [#tpu.dimension_semantics<parallel>, #tpu.dimension_semantics<arbitrary>], iteration_bounds = array<i64: 4, 4>, scalar_prefetch = 0 : i64, scratch_operands = 0 : i64, tpu.core_type = #tpu.core_type<tc>, window_params = [{transform_indices = @transform_0, window_bounds = array<i64: 1, 256, 2048>}, {transform_indices = @transform_1, window_bounds = array<i64: 1, 1024, 512>}, {transform_indices = @transform_2, window_bounds = array<i64: 1, 1024, 512>}, {transform_indices = @transform_3, window_bounds = array<i64: 1, 256, 2048>}]} {
    %iota3A = tpu.iota {dimensions = array<i32: 0>} : vector<1024x256xi32>
    %iota3A_0 = tpu.iota {dimensions = array<i32: 1>} : vector<1024x256xi32>
    %jit3A = arith.constant 256 : i32
    %eq3A = arith.constant 0 : i32
    %eq3A_1 = arith.cmpi eq, %jit3A, %eq3A : i32
    %jit3A_2 = arith.constant 1 : i32
    %select_n3A = arith.select %eq3A_1, %jit3A_2, %jit3A : i32
    %rem3A = vector.broadcast %select_n3A : i32 to vector<1024x256xi32>
    %rem3A_3 = arith.remsi %iota3A, %rem3A : vector<1024x256xi32>
    %ne3A = arith.constant 0 : i32
    %ne3A_4 = vector.broadcast %ne3A : i32 to vector<1024x256xi32>
    %ne3A_5 = arith.cmpi ne, %rem3A_3, %ne3A_4 : vector<1024x256xi32>
    %lt3A = arith.constant 0 : i32
    %lt3A_6 = vector.broadcast %lt3A : i32 to vector<1024x256xi32>
    %lt3A_7 = arith.cmpi slt, %rem3A_3, %lt3A_6 : vector<1024x256xi32>
    %lt3A_8 = arith.constant 0 : i32
    %lt3A_9 = arith.cmpi slt, %select_n3A, %lt3A_8 : i32
    %ne3A_10 = vector.broadcast %lt3A_9 : i1 to vector<1024x256xi1>
    %ne3A_11 = vector.broadcast %ne3A_10 : vector<1024x256xi1> to vector<1024x256xi1>
    %ne3A_12 = arith.xori %lt3A_7, %ne3A_11 : vector<1024x256xi1>
    %and3A = arith.andi %ne3A_12, %ne3A_5 : vector<1024x256xi1>
    %add3A = vector.broadcast %select_n3A : i32 to vector<1024x256xi32>
    %add3A_13 = arith.addi %rem3A_3, %add3A : vector<1024x256xi32>
    %select_n3A_14 = arith.select %and3A, %add3A_13, %rem3A_3 : vector<1024x256xi1>, vector<1024x256xi32>
    %ge3A = arith.cmpi sge, %select_n3A_14, %iota3A_0 : vector<1024x256xi32>
    %get3A = arith.constant 0 : index
    %get3A_15 = arith.constant 0 : index
    %get3A_16 = arith.constant 0 : index
    %get3A_17 = vector.load %arg2[%get3A, %get3A_15, %get3A_16] : memref<1x256x2048xbf16, #tpu.memory_space<vmem>>, vector<1x256x128xbf16>
    %get3A_18 = vector.shape_cast %get3A_17 : vector<1x256x128xbf16> to vector<256x128xbf16>
    %get3A_19 = arith.constant 0 : index
    %get3A_20 = arith.constant 0 : index
    %get3A_21 = arith.constant 128 : index
    %get3A_22 = vector.load %arg2[%get3A_19, %get3A_20, %get3A_21] : memref<1x256x2048xbf16, #tpu.memory_space<vmem>>, vector<1x256x128xbf16>
    %get3A_23 = vector.shape_cast %get3A_22 : vector<1x256x128xbf16> to vector<256x128xbf16>
    %get3A_24 = arith.constant 0 : index
    %get3A_25 = arith.constant 0 : index
    %get3A_26 = arith.constant 256 : index
    %get3A_27 = vector.load %arg2[%get3A_24, %get3A_25, %get3A_26] : memref<1x256x2048xbf16, #tpu.memory_space<vmem>>, vector<1x256x128xbf16>
    %get3A_28 = vector.shape_cast %get3A_27 : vector<1x256x128xbf16> to vector<256x128xbf16>
    %get3A_29 = arith.constant 0 : index
    %get3A_30 = arith.constant 0 : index
    %get3A_31 = arith.constant 384 : index
    %get3A_32 = vector.load %arg2[%get3A_29, %get3A_30, %get3A_31] : memref<1x256x2048xbf16, #tpu.memory_space<vmem>>, vector<1x256x128xbf16>
    %get3A_33 = vector.shape_cast %get3A_32 : vector<1x256x128xbf16> to vector<256x128xbf16>
    %concatenate3A = tpu.concatenate %get3A_18, %get3A_23, %get3A_28, %get3A_33 in 0 : vector<256x128xbf16>, vector<256x128xbf16>, vector<256x128xbf16>, vector<256x128xbf16> -> vector<1024x128xbf16>
    %broadcast_in_dim3A = arith.constant -1.000000e+30 : f32
    %broadcast_in_dim3A_34 = vector.broadcast %broadcast_in_dim3A : f32 to vector<1024x1xf32>
    %broadcast_in_dim3A_35 = arith.constant 0.000000e+00 : f32
    %broadcast_in_dim3A_36 = vector.broadcast %broadcast_in_dim3A_35 : f32 to vector<1024x1xf32>
    %broadcast_in_dim3A_37 = arith.constant 0.000000e+00 : f32
    %broadcast_in_dim3A_38 = vector.broadcast %broadcast_in_dim3A_37 : f32 to vector<1024x128xf32>
    %get3A_39 = arith.constant 0 : index
    %get3A_40 = arith.constant 0 : index
    %get3A_41 = arith.constant 0 : index
    %get3A_42 = vector.load %arg3[%get3A_39, %get3A_40, %get3A_41] : memref<1x1024x512xbf16, #tpu.memory_space<vmem>>, vector<1x256x128xbf16>
    %get3A_43 = vector.shape_cast %get3A_42 : vector<1x256x128xbf16> to vector<256x128xbf16>
    %dot_general3A = arith.constant dense<0.000000e+00> : vector<1024x256xf32>
    %dot_general3A_44 = tpu.matmul %concatenate3A, %get3A_43, %dot_general3A {dimension_numbers = #tpu.dot_dimension_numbers<[1], [1], [0], [0], [0, 0, 1, 0], [], []>, transpose_lhs_hint = false} : vector<1024x128xbf16>, vector<256x128xbf16>, vector<1024x256xf32> -> vector<1024x256xf32>
    %while3A = arith.constant 0 : i32
    %while3A_45 = arith.subi %arg1, %while3A : i32
    %while3A_46 = arith.addi %while3A, %while3A_45 : i32
    %while3A_47 = arith.constant 1 : i32
    %while3A_48 = arith.divsi %while3A_45, %while3A_47 : i32
    %while3A_49 = arith.muli %while3A_48, %while3A_47 : i32
    %while3A_50 = arith.addi %while3A, %while3A_49 : i32
    %while3A_51 = arith.constant 1 : i32
    %while3A_52:4 = scf.for %while3A_420 = %while3A to %while3A_50 step %while3A_51 iter_args(%while3A_421 = %broadcast_in_dim3A_34, %while3A_422 = %broadcast_in_dim3A_36, %while3A_423 = %broadcast_in_dim3A_38, %while3A_424 = %dot_general3A_44) -> (vector<1024x1xf32>, vector<1024x1xf32>, vector<1024x128xf32>, vector<1024x256xf32>)  : i32 {
      %add3A_425 = arith.constant 1 : i32
      %add3A_426 = arith.addi %while3A_420, %add3A_425 : i32
      %mul3A_427 = arith.constant 256 : i32
      %mul3A_428 = arith.muli %add3A_426, %mul3A_427 : i32
      %get3A_429 = arith.constant 0 : index
      %get3A_430 = arith.index_cast %mul3A_428 : i32 to index
      %get3A_431 = arith.constant 0 : index
      %get3A_432 = vector.load %arg3[%get3A_429, %get3A_430, %get3A_431] : memref<1x1024x512xbf16, #tpu.memory_space<vmem>>, vector<1x256x128xbf16>
      %get3A_433 = vector.shape_cast %get3A_432 : vector<1x256x128xbf16> to vector<256x128xbf16>
      %dot_general3A_434 = arith.constant dense<0.000000e+00> : vector<1024x256xf32>
      %dot_general3A_435 = tpu.matmul %concatenate3A, %get3A_433, %dot_general3A_434 {dimension_numbers = #tpu.dot_dimension_numbers<[1], [1], [0], [0], [0, 0, 1, 0], [], []>, transpose_lhs_hint = false} : vector<1024x128xbf16>, vector<256x128xbf16>, vector<1024x256xf32> -> vector<1024x256xf32>
      %mul3A_436 = arith.constant 256 : i32
      %mul3A_437 = arith.muli %while3A_420, %mul3A_436 : i32
      %get3A_438 = arith.constant 0 : index
      %get3A_439 = arith.index_cast %mul3A_437 : i32 to index
      %get3A_440 = arith.constant 0 : index
      %get3A_441 = vector.load %arg4[%get3A_438, %get3A_439, %get3A_440] : memref<1x1024x512xbf16, #tpu.memory_space<vmem>>, vector<1x256x128xbf16>
      %get3A_442 = vector.shape_cast %get3A_441 : vector<1x256x128xbf16> to vector<256x128xbf16>
      %reduce_max3A_443 = arith.constant dense<0xFF800000> : vector<1024xf32>
      %reduce_max3A_444 = vector.multi_reduction <maximumf>, %while3A_424, %reduce_max3A_443 [1] : vector<1024x256xf32> to vector<1024xf32>
      %broadcast_in_dim3A_445 = vector.shape_cast %reduce_max3A_444 : vector<1024xf32> to vector<1024x1xf32>
      %max3A_446 = arith.maximumf %while3A_421, %broadcast_in_dim3A_445 : vector<1024x1xf32>
      %sub3A_447 = vector.broadcast %max3A_446 : vector<1024x1xf32> to vector<1024x256xf32>
      %sub3A_448 = arith.subf %while3A_424, %sub3A_447 : vector<1024x256xf32>
      %exp23A_449 = math.exp2 %sub3A_448 : vector<1024x256xf32>
      %sub3A_450 = arith.subf %while3A_421, %max3A_446 : vector<1024x1xf32>
      %exp23A_451 = math.exp2 %sub3A_450 : vector<1024x1xf32>
      %mul3A_452 = vector.broadcast %exp23A_451 : vector<1024x1xf32> to vector<1024x128xf32>
      %mul3A_453 = arith.mulf %while3A_423, %mul3A_452 : vector<1024x128xf32>
      %convert_element_type3A_454 = arith.truncf %exp23A_449 : vector<1024x256xf32> to vector<1024x256xbf16>
      %dot_general3A_455 = arith.constant dense<0.000000e+00> : vector<1024x128xf32>
      %dot_general3A_456 = tpu.matmul %convert_element_type3A_454, %get3A_442, %dot_general3A_455 {dimension_numbers = #tpu.dot_dimension_numbers<[1], [0], [0], [1], [0, 0, 1, 1], [], []>, transpose_lhs_hint = false} : vector<1024x256xbf16>, vector<256x128xbf16>, vector<1024x128xf32> -> vector<1024x128xf32>
      %add3A_457 = arith.addf %mul3A_453, %dot_general3A_456 : vector<1024x128xf32>
      %mul3A_458 = arith.mulf %while3A_422, %exp23A_451 : vector<1024x1xf32>
      %reduce_sum3A_459 = arith.constant dense<0.000000e+00> : vector<1024xf32>
      %reduce_sum3A_460 = vector.multi_reduction <add>, %exp23A_449, %reduce_sum3A_459 [1] : vector<1024x256xf32> to vector<1024xf32>
      %broadcast_in_dim3A_461 = vector.shape_cast %reduce_sum3A_460 : vector<1024xf32> to vector<1024x1xf32>
      %add3A_462 = arith.addf %mul3A_458, %broadcast_in_dim3A_461 : vector<1024x1xf32>
      scf.yield %max3A_446, %add3A_462, %add3A_457, %dot_general3A_435 : vector<1024x1xf32>, vector<1024x1xf32>, vector<1024x128xf32>, vector<1024x256xf32>
    }
    %while3A_53 = arith.constant 1 : i32
    %while3A_54:4 = scf.for %while3A_420 = %while3A_50 to %while3A_46 step %while3A_53 iter_args(%while3A_421 = %while3A_52#0, %while3A_422 = %while3A_52#1, %while3A_423 = %while3A_52#2, %while3A_424 = %while3A_52#3) -> (vector<1024x1xf32>, vector<1024x1xf32>, vector<1024x128xf32>, vector<1024x256xf32>)  : i32 {
      %add3A_425 = arith.constant 1 : i32
      %add3A_426 = arith.addi %while3A_420, %add3A_425 : i32
      %mul3A_427 = arith.constant 256 : i32
      %mul3A_428 = arith.muli %add3A_426, %mul3A_427 : i32
      %get3A_429 = arith.constant 0 : index
      %get3A_430 = arith.index_cast %mul3A_428 : i32 to index
      %get3A_431 = arith.constant 0 : index
      %get3A_432 = vector.load %arg3[%get3A_429, %get3A_430, %get3A_431] : memref<1x1024x512xbf16, #tpu.memory_space<vmem>>, vector<1x256x128xbf16>
      %get3A_433 = vector.shape_cast %get3A_432 : vector<1x256x128xbf16> to vector<256x128xbf16>
      %dot_general3A_434 = arith.constant dense<0.000000e+00> : vector<1024x256xf32>
      %dot_general3A_435 = tpu.matmul %concatenate3A, %get3A_433, %dot_general3A_434 {dimension_numbers = #tpu.dot_dimension_numbers<[1], [1], [0], [0], [0, 0, 1, 0], [], []>, transpose_lhs_hint = false} : vector<1024x128xbf16>, vector<256x128xbf16>, vector<1024x256xf32> -> vector<1024x256xf32>
      %mul3A_436 = arith.constant 256 : i32
      %mul3A_437 = arith.muli %while3A_420, %mul3A_436 : i32
      %get3A_438 = arith.constant 0 : index
      %get3A_439 = arith.index_cast %mul3A_437 : i32 to index
      %get3A_440 = arith.constant 0 : index
      %get3A_441 = vector.load %arg4[%get3A_438, %get3A_439, %get3A_440] : memref<1x1024x512xbf16, #tpu.memory_space<vmem>>, vector<1x256x128xbf16>
      %get3A_442 = vector.shape_cast %get3A_441 : vector<1x256x128xbf16> to vector<256x128xbf16>
      %reduce_max3A_443 = arith.constant dense<0xFF800000> : vector<1024xf32>
      %reduce_max3A_444 = vector.multi_reduction <maximumf>, %while3A_424, %reduce_max3A_443 [1] : vector<1024x256xf32> to vector<1024xf32>
      %broadcast_in_dim3A_445 = vector.shape_cast %reduce_max3A_444 : vector<1024xf32> to vector<1024x1xf32>
      %max3A_446 = arith.maximumf %while3A_421, %broadcast_in_dim3A_445 : vector<1024x1xf32>
      %sub3A_447 = vector.broadcast %max3A_446 : vector<1024x1xf32> to vector<1024x256xf32>
      %sub3A_448 = arith.subf %while3A_424, %sub3A_447 : vector<1024x256xf32>
      %exp23A_449 = math.exp2 %sub3A_448 : vector<1024x256xf32>
      %sub3A_450 = arith.subf %while3A_421, %max3A_446 : vector<1024x1xf32>
      %exp23A_451 = math.exp2 %sub3A_450 : vector<1024x1xf32>
      %mul3A_452 = vector.broadcast %exp23A_451 : vector<1024x1xf32> to vector<1024x128xf32>
      %mul3A_453 = arith.mulf %while3A_423, %mul3A_452 : vector<1024x128xf32>
      %convert_element_type3A_454 = arith.truncf %exp23A_449 : vector<1024x256xf32> to vector<1024x256xbf16>
      %dot_general3A_455 = arith.constant dense<0.000000e+00> : vector<1024x128xf32>
      %dot_general3A_456 = tpu.matmul %convert_element_type3A_454, %get3A_442, %dot_general3A_455 {dimension_numbers = #tpu.dot_dimension_numbers<[1], [0], [0], [1], [0, 0, 1, 1], [], []>, transpose_lhs_hint = false} : vector<1024x256xbf16>, vector<256x128xbf16>, vector<1024x128xf32> -> vector<1024x128xf32>
      %add3A_457 = arith.addf %mul3A_453, %dot_general3A_456 : vector<1024x128xf32>
      %mul3A_458 = arith.mulf %while3A_422, %exp23A_451 : vector<1024x1xf32>
      %reduce_sum3A_459 = arith.constant dense<0.000000e+00> : vector<1024xf32>
      %reduce_sum3A_460 = vector.multi_reduction <add>, %exp23A_449, %reduce_sum3A_459 [1] : vector<1024x256xf32> to vector<1024xf32>
      %broadcast_in_dim3A_461 = vector.shape_cast %reduce_sum3A_460 : vector<1024xf32> to vector<1024x1xf32>
      %add3A_462 = arith.addf %mul3A_458, %broadcast_in_dim3A_461 : vector<1024x1xf32>
      scf.yield %max3A_446, %add3A_462, %add3A_457, %dot_general3A_435 : vector<1024x1xf32>, vector<1024x1xf32>, vector<1024x128xf32>, vector<1024x256xf32>
    }
    %jit3A_55 = arith.constant -1.000000e+30 : f32
    %broadcast_in_dim3A_56 = vector.broadcast %jit3A_55 : f32 to vector<1024x256xf32>
    %select_n3A_57 = arith.select %ge3A, %while3A_54#3, %broadcast_in_dim3A_56 : vector<1024x256xi1>, vector<1024x256xf32>
    %mul3A = arith.constant 256 : i32
    %mul3A_58 = arith.muli %arg1, %mul3A : i32
    %get3A_59 = arith.constant 0 : index
    %get3A_60 = arith.index_cast %mul3A_58 : i32 to index
    %get3A_61 = arith.constant 0 : index
    %get3A_62 = vector.load %arg4[%get3A_59, %get3A_60, %get3A_61] : memref<1x1024x512xbf16, #tpu.memory_space<vmem>>, vector<1x256x128xbf16>
    %get3A_63 = vector.shape_cast %get3A_62 : vector<1x256x128xbf16> to vector<256x128xbf16>
    %reduce_max3A = arith.constant dense<0xFF800000> : vector<1024xf32>
    %reduce_max3A_64 = vector.multi_reduction <maximumf>, %select_n3A_57, %reduce_max3A [1] : vector<1024x256xf32> to vector<1024xf32>
    %broadcast_in_dim3A_65 = vector.shape_cast %reduce_max3A_64 : vector<1024xf32> to vector<1024x1xf32>
    %max3A = arith.maximumf %while3A_54#0, %broadcast_in_dim3A_65 : vector<1024x1xf32>
    %sub3A = vector.broadcast %max3A : vector<1024x1xf32> to vector<1024x256xf32>
    %sub3A_66 = arith.subf %select_n3A_57, %sub3A : vector<1024x256xf32>
    %exp23A = math.exp2 %sub3A_66 : vector<1024x256xf32>
    %sub3A_67 = arith.subf %while3A_54#0, %max3A : vector<1024x1xf32>
    %exp23A_68 = math.exp2 %sub3A_67 : vector<1024x1xf32>
    %mul3A_69 = vector.broadcast %exp23A_68 : vector<1024x1xf32> to vector<1024x128xf32>
    %mul3A_70 = arith.mulf %while3A_54#2, %mul3A_69 : vector<1024x128xf32>
    %convert_element_type3A = arith.truncf %exp23A : vector<1024x256xf32> to vector<1024x256xbf16>
    %dot_general3A_71 = arith.constant dense<0.000000e+00> : vector<1024x128xf32>
    %dot_general3A_72 = tpu.matmul %convert_element_type3A, %get3A_63, %dot_general3A_71 {dimension_numbers = #tpu.dot_dimension_numbers<[1], [0], [0], [1], [0, 0, 1, 1], [], []>, transpose_lhs_hint = false} : vector<1024x256xbf16>, vector<256x128xbf16>, vector<1024x128xf32> -> vector<1024x128xf32>
    %add3A_73 = arith.addf %mul3A_70, %dot_general3A_72 : vector<1024x128xf32>
    %mul3A_74 = arith.mulf %while3A_54#1, %exp23A_68 : vector<1024x1xf32>
    %reduce_sum3A = arith.constant dense<0.000000e+00> : vector<1024xf32>
    %reduce_sum3A_75 = vector.multi_reduction <add>, %exp23A, %reduce_sum3A [1] : vector<1024x256xf32> to vector<1024xf32>
    %broadcast_in_dim3A_76 = vector.shape_cast %reduce_sum3A_75 : vector<1024xf32> to vector<1024x1xf32>
    %add3A_77 = arith.addf %mul3A_74, %broadcast_in_dim3A_76 : vector<1024x1xf32>
    %div3A = vector.broadcast %add3A_77 : vector<1024x1xf32> to vector<1024x128xf32>
    %div3A_78 = arith.divf %add3A_73, %div3A : vector<1024x128xf32>
    %slice3A = vector.extract_strided_slice %div3A_78 {offsets = [0, 0], sizes = [256, 128], strides = [1, 1]} : vector<1024x128xf32> to vector<256x128xf32>
    %swap3A = arith.constant 0 : index
    %swap3A_79 = arith.constant 0 : index
    %swap3A_80 = arith.constant 0 : index
    %swap3A_81 = vector.load %arg5[%swap3A, %swap3A_79, %swap3A_80] : memref<1x256x2048xf32, #tpu.memory_space<vmem>>, vector<1x256x128xf32>
    %swap3A_82 = vector.shape_cast %swap3A_81 : vector<1x256x128xf32> to vector<256x128xf32>
    %swap3A_83 = vector.shape_cast %slice3A : vector<256x128xf32> to vector<1x256x128xf32>
    tpu.vector_store %arg5[%swap3A, %swap3A_79, %swap3A_80], %swap3A_83 {strides = array<i32>} : memref<1x256x2048xf32, #tpu.memory_space<vmem>>, vector<1x256x128xf32>,
    %slice3A_84 = vector.extract_strided_slice %div3A_78 {offsets = [256, 0], sizes = [256, 128], strides = [1, 1]} : vector<1024x128xf32> to vector<256x128xf32>
    %swap3A_85 = arith.constant 0 : index
    %swap3A_86 = arith.constant 0 : index
    %swap3A_87 = arith.constant 128 : index
    %swap3A_88 = vector.load %arg5[%swap3A_85, %swap3A_86, %swap3A_87] : memref<1x256x2048xf32, #tpu.memory_space<vmem>>, vector<1x256x128xf32>
    %swap3A_89 = vector.shape_cast %swap3A_88 : vector<1x256x128xf32> to vector<256x128xf32>
    %swap3A_90 = vector.shape_cast %slice3A_84 : vector<256x128xf32> to vector<1x256x128xf32>
    tpu.vector_store %arg5[%swap3A_85, %swap3A_86, %swap3A_87], %swap3A_90 {strides = array<i32>} : memref<1x256x2048xf32, #tpu.memory_space<vmem>>, vector<1x256x128xf32>,
    %slice3A_91 = vector.extract_strided_slice %div3A_78 {offsets = [512, 0], sizes = [256, 128], strides = [1, 1]} : vector<1024x128xf32> to vector<256x128xf32>
    %swap3A_92 = arith.constant 0 : index
    %swap3A_93 = arith.constant 0 : index
    %swap3A_94 = arith.constant 256 : index
    %swap3A_95 = vector.load %arg5[%swap3A_92, %swap3A_93, %swap3A_94] : memref<1x256x2048xf32, #tpu.memory_space<vmem>>, vector<1x256x128xf32>
    %swap3A_96 = vector.shape_cast %swap3A_95 : vector<1x256x128xf32> to vector<256x128xf32>
    %swap3A_97 = vector.shape_cast %slice3A_91 : vector<256x128xf32> to vector<1x256x128xf32>
    tpu.vector_store %arg5[%swap3A_92, %swap3A_93, %swap3A_94], %swap3A_97 {strides = array<i32>} : memref<1x256x2048xf32, #tpu.memory_space<vmem>>, vector<1x256x128xf32>,
    %slice3A_98 = vector.extract_strided_slice %div3A_78 {offsets = [768, 0], sizes = [256, 128], strides = [1, 1]} : vector<1024x128xf32> to vector<256x128xf32>
    %swap3A_99 = arith.constant 0 : index
    %swap3A_100 = arith.constant 0 : index
    %swap3A_101 = arith.constant 384 : index
    %swap3A_102 = vector.load %arg5[%swap3A_99, %swap3A_100, %swap3A_101] : memref<1x256x2048xf32, #tpu.memory_space<vmem>>, vector<1x256x128xf32>
    %swap3A_103 = vector.shape_cast %swap3A_102 : vector<1x256x128xf32> to vector<256x128xf32>
    %swap3A_104 = vector.shape_cast %slice3A_98 : vector<256x128xf32> to vector<1x256x128xf32>
    tpu.vector_store %arg5[%swap3A_99, %swap3A_100, %swap3A_101], %swap3A_104 {strides = array<i32>} : memref<1x256x2048xf32, #tpu.memory_space<vmem>>, vector<1x256x128xf32>,
    %get3A_105 = arith.constant 0 : index
    %get3A_106 = arith.constant 0 : index
    %get3A_107 = arith.constant 512 : index
    %get3A_108 = vector.load %arg2[%get3A_105, %get3A_106, %get3A_107] : memref<1x256x2048xbf16, #tpu.memory_space<vmem>>, vector<1x256x128xbf16>
    %get3A_109 = vector.shape_cast %get3A_108 : vector<1x256x128xbf16> to vector<256x128xbf16>
    %get3A_110 = arith.constant 0 : index
    %get3A_111 = arith.constant 0 : index
    %get3A_112 = arith.constant 640 : index
    %get3A_113 = vector.load %arg2[%get3A_110, %get3A_111, %get3A_112] : memref<1x256x2048xbf16, #tpu.memory_space<vmem>>, vector<1x256x128xbf16>
    %get3A_114 = vector.shape_cast %get3A_113 : vector<1x256x128xbf16> to vector<256x128xbf16>
    %get3A_115 = arith.constant 0 : index
    %get3A_116 = arith.constant 0 : index
    %get3A_117 = arith.constant 768 : index
    %get3A_118 = vector.load %arg2[%get3A_115, %get3A_116, %get3A_117] : memref<1x256x2048xbf16, #tpu.memory_space<vmem>>, vector<1x256x128xbf16>
    %get3A_119 = vector.shape_cast %get3A_118 : vector<1x256x128xbf16> to vector<256x128xbf16>
    %get3A_120 = arith.constant 0 : index
    %get3A_121 = arith.constant 0 : index
    %get3A_122 = arith.constant 896 : index
    %get3A_123 = vector.load %arg2[%get3A_120, %get3A_121, %get3A_122] : memref<1x256x2048xbf16, #tpu.memory_space<vmem>>, vector<1x256x128xbf16>
    %get3A_124 = vector.shape_cast %get3A_123 : vector<1x256x128xbf16> to vector<256x128xbf16>
    %concatenate3A_125 = tpu.concatenate %get3A_109, %get3A_114, %get3A_119, %get3A_124 in 0 : vector<256x128xbf16>, vector<256x128xbf16>, vector<256x128xbf16>, vector<256x128xbf16> -> vector<1024x128xbf16>
    %broadcast_in_dim3A_126 = arith.constant -1.000000e+30 : f32
    %broadcast_in_dim3A_127 = vector.broadcast %broadcast_in_dim3A_126 : f32 to vector<1024x1xf32>
    %broadcast_in_dim3A_128 = arith.constant 0.000000e+00 : f32
    %broadcast_in_dim3A_129 = vector.broadcast %broadcast_in_dim3A_128 : f32 to vector<1024x1xf32>
    %broadcast_in_dim3A_130 = arith.constant 0.000000e+00 : f32
    %broadcast_in_dim3A_131 = vector.broadcast %broadcast_in_dim3A_130 : f32 to vector<1024x128xf32>
    %get3A_132 = arith.constant 0 : index
    %get3A_133 = arith.constant 0 : index
    %get3A_134 = arith.constant 128 : index
    %get3A_135 = vector.load %arg3[%get3A_132, %get3A_133, %get3A_134] : memref<1x1024x512xbf16, #tpu.memory_space<vmem>>, vector<1x256x128xbf16>
    %get3A_136 = vector.shape_cast %get3A_135 : vector<1x256x128xbf16> to vector<256x128xbf16>
    %dot_general3A_137 = arith.constant dense<0.000000e+00> : vector<1024x256xf32>
    %dot_general3A_138 = tpu.matmul %concatenate3A_125, %get3A_136, %dot_general3A_137 {dimension_numbers = #tpu.dot_dimension_numbers<[1], [1], [0], [0], [0, 0, 1, 0], [], []>, transpose_lhs_hint = false} : vector<1024x128xbf16>, vector<256x128xbf16>, vector<1024x256xf32> -> vector<1024x256xf32>
    %while3A_139 = arith.constant 0 : i32
    %while3A_140 = arith.subi %arg1, %while3A_139 : i32
    %while3A_141 = arith.addi %while3A_139, %while3A_140 : i32
    %while3A_142 = arith.constant 1 : i32
    %while3A_143 = arith.divsi %while3A_140, %while3A_142 : i32
    %while3A_144 = arith.muli %while3A_143, %while3A_142 : i32
    %while3A_145 = arith.addi %while3A_139, %while3A_144 : i32
    %while3A_146 = arith.constant 1 : i32
    %while3A_147:4 = scf.for %while3A_420 = %while3A_139 to %while3A_145 step %while3A_146 iter_args(%while3A_421 = %broadcast_in_dim3A_127, %while3A_422 = %broadcast_in_dim3A_129, %while3A_423 = %broadcast_in_dim3A_131, %while3A_424 = %dot_general3A_138) -> (vector<1024x1xf32>, vector<1024x1xf32>, vector<1024x128xf32>, vector<1024x256xf32>)  : i32 {
      %add3A_425 = arith.constant 1 : i32
      %add3A_426 = arith.addi %while3A_420, %add3A_425 : i32
      %mul3A_427 = arith.constant 256 : i32
      %mul3A_428 = arith.muli %add3A_426, %mul3A_427 : i32
      %get3A_429 = arith.constant 0 : index
      %get3A_430 = arith.index_cast %mul3A_428 : i32 to index
      %get3A_431 = arith.constant 128 : index
      %get3A_432 = vector.load %arg3[%get3A_429, %get3A_430, %get3A_431] : memref<1x1024x512xbf16, #tpu.memory_space<vmem>>, vector<1x256x128xbf16>
      %get3A_433 = vector.shape_cast %get3A_432 : vector<1x256x128xbf16> to vector<256x128xbf16>
      %dot_general3A_434 = arith.constant dense<0.000000e+00> : vector<1024x256xf32>
      %dot_general3A_435 = tpu.matmul %concatenate3A_125, %get3A_433, %dot_general3A_434 {dimension_numbers = #tpu.dot_dimension_numbers<[1], [1], [0], [0], [0, 0, 1, 0], [], []>, transpose_lhs_hint = false} : vector<1024x128xbf16>, vector<256x128xbf16>, vector<1024x256xf32> -> vector<1024x256xf32>
      %mul3A_436 = arith.constant 256 : i32
      %mul3A_437 = arith.muli %while3A_420, %mul3A_436 : i32
      %get3A_438 = arith.constant 0 : index
      %get3A_439 = arith.index_cast %mul3A_437 : i32 to index
      %get3A_440 = arith.constant 128 : index
      %get3A_441 = vector.load %arg4[%get3A_438, %get3A_439, %get3A_440] : memref<1x1024x512xbf16, #tpu.memory_space<vmem>>, vector<1x256x128xbf16>
      %get3A_442 = vector.shape_cast %get3A_441 : vector<1x256x128xbf16> to vector<256x128xbf16>
      %reduce_max3A_443 = arith.constant dense<0xFF800000> : vector<1024xf32>
      %reduce_max3A_444 = vector.multi_reduction <maximumf>, %while3A_424, %reduce_max3A_443 [1] : vector<1024x256xf32> to vector<1024xf32>
      %broadcast_in_dim3A_445 = vector.shape_cast %reduce_max3A_444 : vector<1024xf32> to vector<1024x1xf32>
      %max3A_446 = arith.maximumf %while3A_421, %broadcast_in_dim3A_445 : vector<1024x1xf32>
      %sub3A_447 = vector.broadcast %max3A_446 : vector<1024x1xf32> to vector<1024x256xf32>
      %sub3A_448 = arith.subf %while3A_424, %sub3A_447 : vector<1024x256xf32>
      %exp23A_449 = math.exp2 %sub3A_448 : vector<1024x256xf32>
      %sub3A_450 = arith.subf %while3A_421, %max3A_446 : vector<1024x1xf32>
      %exp23A_451 = math.exp2 %sub3A_450 : vector<1024x1xf32>
      %mul3A_452 = vector.broadcast %exp23A_451 : vector<1024x1xf32> to vector<1024x128xf32>
      %mul3A_453 = arith.mulf %while3A_423, %mul3A_452 : vector<1024x128xf32>
      %convert_element_type3A_454 = arith.truncf %exp23A_449 : vector<1024x256xf32> to vector<1024x256xbf16>
      %dot_general3A_455 = arith.constant dense<0.000000e+00> : vector<1024x128xf32>
      %dot_general3A_456 = tpu.matmul %convert_element_type3A_454, %get3A_442, %dot_general3A_455 {dimension_numbers = #tpu.dot_dimension_numbers<[1], [0], [0], [1], [0, 0, 1, 1], [], []>, transpose_lhs_hint = false} : vector<1024x256xbf16>, vector<256x128xbf16>, vector<1024x128xf32> -> vector<1024x128xf32>
      %add3A_457 = arith.addf %mul3A_453, %dot_general3A_456 : vector<1024x128xf32>
      %mul3A_458 = arith.mulf %while3A_422, %exp23A_451 : vector<1024x1xf32>
      %reduce_sum3A_459 = arith.constant dense<0.000000e+00> : vector<1024xf32>
      %reduce_sum3A_460 = vector.multi_reduction <add>, %exp23A_449, %reduce_sum3A_459 [1] : vector<1024x256xf32> to vector<1024xf32>
      %broadcast_in_dim3A_461 = vector.shape_cast %reduce_sum3A_460 : vector<1024xf32> to vector<1024x1xf32>
      %add3A_462 = arith.addf %mul3A_458, %broadcast_in_dim3A_461 : vector<1024x1xf32>
      scf.yield %max3A_446, %add3A_462, %add3A_457, %dot_general3A_435 : vector<1024x1xf32>, vector<1024x1xf32>, vector<1024x128xf32>, vector<1024x256xf32>
    }
    %while3A_148 = arith.constant 1 : i32
    %while3A_149:4 = scf.for %while3A_420 = %while3A_145 to %while3A_141 step %while3A_148 iter_args(%while3A_421 = %while3A_147#0, %while3A_422 = %while3A_147#1, %while3A_423 = %while3A_147#2, %while3A_424 = %while3A_147#3) -> (vector<1024x1xf32>, vector<1024x1xf32>, vector<1024x128xf32>, vector<1024x256xf32>)  : i32 {
      %add3A_425 = arith.constant 1 : i32
      %add3A_426 = arith.addi %while3A_420, %add3A_425 : i32
      %mul3A_427 = arith.constant 256 : i32
      %mul3A_428 = arith.muli %add3A_426, %mul3A_427 : i32
      %get3A_429 = arith.constant 0 : index
      %get3A_430 = arith.index_cast %mul3A_428 : i32 to index
      %get3A_431 = arith.constant 128 : index
      %get3A_432 = vector.load %arg3[%get3A_429, %get3A_430, %get3A_431] : memref<1x1024x512xbf16, #tpu.memory_space<vmem>>, vector<1x256x128xbf16>
      %get3A_433 = vector.shape_cast %get3A_432 : vector<1x256x128xbf16> to vector<256x128xbf16>
      %dot_general3A_434 = arith.constant dense<0.000000e+00> : vector<1024x256xf32>
      %dot_general3A_435 = tpu.matmul %concatenate3A_125, %get3A_433, %dot_general3A_434 {dimension_numbers = #tpu.dot_dimension_numbers<[1], [1], [0], [0], [0, 0, 1, 0], [], []>, transpose_lhs_hint = false} : vector<1024x128xbf16>, vector<256x128xbf16>, vector<1024x256xf32> -> vector<1024x256xf32>
      %mul3A_436 = arith.constant 256 : i32
      %mul3A_437 = arith.muli %while3A_420, %mul3A_436 : i32
      %get3A_438 = arith.constant 0 : index
      %get3A_439 = arith.index_cast %mul3A_437 : i32 to index
      %get3A_440 = arith.constant 128 : index
      %get3A_441 = vector.load %arg4[%get3A_438, %get3A_439, %get3A_440] : memref<1x1024x512xbf16, #tpu.memory_space<vmem>>, vector<1x256x128xbf16>
      %get3A_442 = vector.shape_cast %get3A_441 : vector<1x256x128xbf16> to vector<256x128xbf16>
      %reduce_max3A_443 = arith.constant dense<0xFF800000> : vector<1024xf32>
      %reduce_max3A_444 = vector.multi_reduction <maximumf>, %while3A_424, %reduce_max3A_443 [1] : vector<1024x256xf32> to vector<1024xf32>
      %broadcast_in_dim3A_445 = vector.shape_cast %reduce_max3A_444 : vector<1024xf32> to vector<1024x1xf32>
      %max3A_446 = arith.maximumf %while3A_421, %broadcast_in_dim3A_445 : vector<1024x1xf32>
      %sub3A_447 = vector.broadcast %max3A_446 : vector<1024x1xf32> to vector<1024x256xf32>
      %sub3A_448 = arith.subf %while3A_424, %sub3A_447 : vector<1024x256xf32>
      %exp23A_449 = math.exp2 %sub3A_448 : vector<1024x256xf32>
      %sub3A_450 = arith.subf %while3A_421, %max3A_446 : vector<1024x1xf32>
      %exp23A_451 = math.exp2 %sub3A_450 : vector<1024x1xf32>
      %mul3A_452 = vector.broadcast %exp23A_451 : vector<1024x1xf32> to vector<1024x128xf32>
      %mul3A_453 = arith.mulf %while3A_423, %mul3A_452 : vector<1024x128xf32>
      %convert_element_type3A_454 = arith.truncf %exp23A_449 : vector<1024x256xf32> to vector<1024x256xbf16>
      %dot_general3A_455 = arith.constant dense<0.000000e+00> : vector<1024x128xf32>
      %dot_general3A_456 = tpu.matmul %convert_element_type3A_454, %get3A_442, %dot_general3A_455 {dimension_numbers = #tpu.dot_dimension_numbers<[1], [0], [0], [1], [0, 0, 1, 1], [], []>, transpose_lhs_hint = false} : vector<1024x256xbf16>, vector<256x128xbf16>, vector<1024x128xf32> -> vector<1024x128xf32>
      %add3A_457 = arith.addf %mul3A_453, %dot_general3A_456 : vector<1024x128xf32>
      %mul3A_458 = arith.mulf %while3A_422, %exp23A_451 : vector<1024x1xf32>
      %reduce_sum3A_459 = arith.constant dense<0.000000e+00> : vector<1024xf32>
      %reduce_sum3A_460 = vector.multi_reduction <add>, %exp23A_449, %reduce_sum3A_459 [1] : vector<1024x256xf32> to vector<1024xf32>
      %broadcast_in_dim3A_461 = vector.shape_cast %reduce_sum3A_460 : vector<1024xf32> to vector<1024x1xf32>
      %add3A_462 = arith.addf %mul3A_458, %broadcast_in_dim3A_461 : vector<1024x1xf32>
      scf.yield %max3A_446, %add3A_462, %add3A_457, %dot_general3A_435 : vector<1024x1xf32>, vector<1024x1xf32>, vector<1024x128xf32>, vector<1024x256xf32>
    }
    %jit3A_150 = arith.constant -1.000000e+30 : f32
    %broadcast_in_dim3A_151 = vector.broadcast %jit3A_150 : f32 to vector<1024x256xf32>
    %select_n3A_152 = arith.select %ge3A, %while3A_149#3, %broadcast_in_dim3A_151 : vector<1024x256xi1>, vector<1024x256xf32>
    %mul3A_153 = arith.constant 256 : i32
    %mul3A_154 = arith.muli %arg1, %mul3A_153 : i32
    %get3A_155 = arith.constant 0 : index
    %get3A_156 = arith.index_cast %mul3A_154 : i32 to index
    %get3A_157 = arith.constant 128 : index
    %get3A_158 = vector.load %arg4[%get3A_155, %get3A_156, %get3A_157] : memref<1x1024x512xbf16, #tpu.memory_space<vmem>>, vector<1x256x128xbf16>
    %get3A_159 = vector.shape_cast %get3A_158 : vector<1x256x128xbf16> to vector<256x128xbf16>
    %reduce_max3A_160 = arith.constant dense<0xFF800000> : vector<1024xf32>
    %reduce_max3A_161 = vector.multi_reduction <maximumf>, %select_n3A_152, %reduce_max3A_160 [1] : vector<1024x256xf32> to vector<1024xf32>
    %broadcast_in_dim3A_162 = vector.shape_cast %reduce_max3A_161 : vector<1024xf32> to vector<1024x1xf32>
    %max3A_163 = arith.maximumf %while3A_149#0, %broadcast_in_dim3A_162 : vector<1024x1xf32>
    %sub3A_164 = vector.broadcast %max3A_163 : vector<1024x1xf32> to vector<1024x256xf32>
    %sub3A_165 = arith.subf %select_n3A_152, %sub3A_164 : vector<1024x256xf32>
    %exp23A_166 = math.exp2 %sub3A_165 : vector<1024x256xf32>
    %sub3A_167 = arith.subf %while3A_149#0, %max3A_163 : vector<1024x1xf32>
    %exp23A_168 = math.exp2 %sub3A_167 : vector<1024x1xf32>
    %mul3A_169 = vector.broadcast %exp23A_168 : vector<1024x1xf32> to vector<1024x128xf32>
    %mul3A_170 = arith.mulf %while3A_149#2, %mul3A_169 : vector<1024x128xf32>
    %convert_element_type3A_171 = arith.truncf %exp23A_166 : vector<1024x256xf32> to vector<1024x256xbf16>
    %dot_general3A_172 = arith.constant dense<0.000000e+00> : vector<1024x128xf32>
    %dot_general3A_173 = tpu.matmul %convert_element_type3A_171, %get3A_159, %dot_general3A_172 {dimension_numbers = #tpu.dot_dimension_numbers<[1], [0], [0], [1], [0, 0, 1, 1], [], []>, transpose_lhs_hint = false} : vector<1024x256xbf16>, vector<256x128xbf16>, vector<1024x128xf32> -> vector<1024x128xf32>
    %add3A_174 = arith.addf %mul3A_170, %dot_general3A_173 : vector<1024x128xf32>
    %mul3A_175 = arith.mulf %while3A_149#1, %exp23A_168 : vector<1024x1xf32>
    %reduce_sum3A_176 = arith.constant dense<0.000000e+00> : vector<1024xf32>
    %reduce_sum3A_177 = vector.multi_reduction <add>, %exp23A_166, %reduce_sum3A_176 [1] : vector<1024x256xf32> to vector<1024xf32>
    %broadcast_in_dim3A_178 = vector.shape_cast %reduce_sum3A_177 : vector<1024xf32> to vector<1024x1xf32>
    %add3A_179 = arith.addf %mul3A_175, %broadcast_in_dim3A_178 : vector<1024x1xf32>
    %div3A_180 = vector.broadcast %add3A_179 : vector<1024x1xf32> to vector<1024x128xf32>
    %div3A_181 = arith.divf %add3A_174, %div3A_180 : vector<1024x128xf32>
    %slice3A_182 = vector.extract_strided_slice %div3A_181 {offsets = [0, 0], sizes = [256, 128], strides = [1, 1]} : vector<1024x128xf32> to vector<256x128xf32>
    %swap3A_183 = arith.constant 0 : index
    %swap3A_184 = arith.constant 0 : index
    %swap3A_185 = arith.constant 512 : index
    %swap3A_186 = vector.load %arg5[%swap3A_183, %swap3A_184, %swap3A_185] : memref<1x256x2048xf32, #tpu.memory_space<vmem>>, vector<1x256x128xf32>
    %swap3A_187 = vector.shape_cast %swap3A_186 : vector<1x256x128xf32> to vector<256x128xf32>
    %swap3A_188 = vector.shape_cast %slice3A_182 : vector<256x128xf32> to vector<1x256x128xf32>
    tpu.vector_store %arg5[%swap3A_183, %swap3A_184, %swap3A_185], %swap3A_188 {strides = array<i32>} : memref<1x256x2048xf32, #tpu.memory_space<vmem>>, vector<1x256x128xf32>,
    %slice3A_189 = vector.extract_strided_slice %div3A_181 {offsets = [256, 0], sizes = [256, 128], strides = [1, 1]} : vector<1024x128xf32> to vector<256x128xf32>
    %swap3A_190 = arith.constant 0 : index
    %swap3A_191 = arith.constant 0 : index
    %swap3A_192 = arith.constant 640 : index
    %swap3A_193 = vector.load %arg5[%swap3A_190, %swap3A_191, %swap3A_192] : memref<1x256x2048xf32, #tpu.memory_space<vmem>>, vector<1x256x128xf32>
    %swap3A_194 = vector.shape_cast %swap3A_193 : vector<1x256x128xf32> to vector<256x128xf32>
    %swap3A_195 = vector.shape_cast %slice3A_189 : vector<256x128xf32> to vector<1x256x128xf32>
    tpu.vector_store %arg5[%swap3A_190, %swap3A_191, %swap3A_192], %swap3A_195 {strides = array<i32>} : memref<1x256x2048xf32, #tpu.memory_space<vmem>>, vector<1x256x128xf32>,
    %slice3A_196 = vector.extract_strided_slice %div3A_181 {offsets = [512, 0], sizes = [256, 128], strides = [1, 1]} : vector<1024x128xf32> to vector<256x128xf32>
    %swap3A_197 = arith.constant 0 : index
    %swap3A_198 = arith.constant 0 : index
    %swap3A_199 = arith.constant 768 : index
    %swap3A_200 = vector.load %arg5[%swap3A_197, %swap3A_198, %swap3A_199] : memref<1x256x2048xf32, #tpu.memory_space<vmem>>, vector<1x256x128xf32>
    %swap3A_201 = vector.shape_cast %swap3A_200 : vector<1x256x128xf32> to vector<256x128xf32>
    %swap3A_202 = vector.shape_cast %slice3A_196 : vector<256x128xf32> to vector<1x256x128xf32>
    tpu.vector_store %arg5[%swap3A_197, %swap3A_198, %swap3A_199], %swap3A_202 {strides = array<i32>} : memref<1x256x2048xf32, #tpu.memory_space<vmem>>, vector<1x256x128xf32>,
    %slice3A_203 = vector.extract_strided_slice %div3A_181 {offsets = [768, 0], sizes = [256, 128], strides = [1, 1]} : vector<1024x128xf32> to vector<256x128xf32>
    %swap3A_204 = arith.constant 0 : index
    %swap3A_205 = arith.constant 0 : index
    %swap3A_206 = arith.constant 896 : index
    %swap3A_207 = vector.load %arg5[%swap3A_204, %swap3A_205, %swap3A_206] : memref<1x256x2048xf32, #tpu.memory_space<vmem>>, vector<1x256x128xf32>
    %swap3A_208 = vector.shape_cast %swap3A_207 : vector<1x256x128xf32> to vector<256x128xf32>
    %swap3A_209 = vector.shape_cast %slice3A_203 : vector<256x128xf32> to vector<1x256x128xf32>
    tpu.vector_store %arg5[%swap3A_204, %swap3A_205, %swap3A_206], %swap3A_209 {strides = array<i32>} : memref<1x256x2048xf32, #tpu.memory_space<vmem>>, vector<1x256x128xf32>,
    %get3A_210 = arith.constant 0 : index
    %get3A_211 = arith.constant 0 : index
    %get3A_212 = arith.constant 1024 : index
    %get3A_213 = vector.load %arg2[%get3A_210, %get3A_211, %get3A_212] : memref<1x256x2048xbf16, #tpu.memory_space<vmem>>, vector<1x256x128xbf16>
    %get3A_214 = vector.shape_cast %get3A_213 : vector<1x256x128xbf16> to vector<256x128xbf16>
    %get3A_215 = arith.constant 0 : index
    %get3A_216 = arith.constant 0 : index
    %get3A_217 = arith.constant 1152 : index
    %get3A_218 = vector.load %arg2[%get3A_215, %get3A_216, %get3A_217] : memref<1x256x2048xbf16, #tpu.memory_space<vmem>>, vector<1x256x128xbf16>
    %get3A_219 = vector.shape_cast %get3A_218 : vector<1x256x128xbf16> to vector<256x128xbf16>
    %get3A_220 = arith.constant 0 : index
    %get3A_221 = arith.constant 0 : index
    %get3A_222 = arith.constant 1280 : index
    %get3A_223 = vector.load %arg2[%get3A_220, %get3A_221, %get3A_222] : memref<1x256x2048xbf16, #tpu.memory_space<vmem>>, vector<1x256x128xbf16>
    %get3A_224 = vector.shape_cast %get3A_223 : vector<1x256x128xbf16> to vector<256x128xbf16>
    %get3A_225 = arith.constant 0 : index
    %get3A_226 = arith.constant 0 : index
    %get3A_227 = arith.constant 1408 : index
    %get3A_228 = vector.load %arg2[%get3A_225, %get3A_226, %get3A_227] : memref<1x256x2048xbf16, #tpu.memory_space<vmem>>, vector<1x256x128xbf16>
    %get3A_229 = vector.shape_cast %get3A_228 : vector<1x256x128xbf16> to vector<256x128xbf16>
    %concatenate3A_230 = tpu.concatenate %get3A_214, %get3A_219, %get3A_224, %get3A_229 in 0 : vector<256x128xbf16>, vector<256x128xbf16>, vector<256x128xbf16>, vector<256x128xbf16> -> vector<1024x128xbf16>
    %broadcast_in_dim3A_231 = arith.constant -1.000000e+30 : f32
    %broadcast_in_dim3A_232 = vector.broadcast %broadcast_in_dim3A_231 : f32 to vector<1024x1xf32>
    %broadcast_in_dim3A_233 = arith.constant 0.000000e+00 : f32
    %broadcast_in_dim3A_234 = vector.broadcast %broadcast_in_dim3A_233 : f32 to vector<1024x1xf32>
    %broadcast_in_dim3A_235 = arith.constant 0.000000e+00 : f32
    %broadcast_in_dim3A_236 = vector.broadcast %broadcast_in_dim3A_235 : f32 to vector<1024x128xf32>
    %get3A_237 = arith.constant 0 : index
    %get3A_238 = arith.constant 0 : index
    %get3A_239 = arith.constant 256 : index
    %get3A_240 = vector.load %arg3[%get3A_237, %get3A_238, %get3A_239] : memref<1x1024x512xbf16, #tpu.memory_space<vmem>>, vector<1x256x128xbf16>
    %get3A_241 = vector.shape_cast %get3A_240 : vector<1x256x128xbf16> to vector<256x128xbf16>
    %dot_general3A_242 = arith.constant dense<0.000000e+00> : vector<1024x256xf32>
    %dot_general3A_243 = tpu.matmul %concatenate3A_230, %get3A_241, %dot_general3A_242 {dimension_numbers = #tpu.dot_dimension_numbers<[1], [1], [0], [0], [0, 0, 1, 0], [], []>, transpose_lhs_hint = false} : vector<1024x128xbf16>, vector<256x128xbf16>, vector<1024x256xf32> -> vector<1024x256xf32>
    %while3A_244 = arith.constant 0 : i32
    %while3A_245 = arith.subi %arg1, %while3A_244 : i32
    %while3A_246 = arith.addi %while3A_244, %while3A_245 : i32
    %while3A_247 = arith.constant 1 : i32
    %while3A_248 = arith.divsi %while3A_245, %while3A_247 : i32
    %while3A_249 = arith.muli %while3A_248, %while3A_247 : i32
    %while3A_250 = arith.addi %while3A_244, %while3A_249 : i32
    %while3A_251 = arith.constant 1 : i32
    %while3A_252:4 = scf.for %while3A_420 = %while3A_244 to %while3A_250 step %while3A_251 iter_args(%while3A_421 = %broadcast_in_dim3A_232, %while3A_422 = %broadcast_in_dim3A_234, %while3A_423 = %broadcast_in_dim3A_236, %while3A_424 = %dot_general3A_243) -> (vector<1024x1xf32>, vector<1024x1xf32>, vector<1024x128xf32>, vector<1024x256xf32>)  : i32 {
      %add3A_425 = arith.constant 1 : i32
      %add3A_426 = arith.addi %while3A_420, %add3A_425 : i32
      %mul3A_427 = arith.constant 256 : i32
      %mul3A_428 = arith.muli %add3A_426, %mul3A_427 : i32
      %get3A_429 = arith.constant 0 : index
      %get3A_430 = arith.index_cast %mul3A_428 : i32 to index
      %get3A_431 = arith.constant 256 : index
      %get3A_432 = vector.load %arg3[%get3A_429, %get3A_430, %get3A_431] : memref<1x1024x512xbf16, #tpu.memory_space<vmem>>, vector<1x256x128xbf16>
      %get3A_433 = vector.shape_cast %get3A_432 : vector<1x256x128xbf16> to vector<256x128xbf16>
      %dot_general3A_434 = arith.constant dense<0.000000e+00> : vector<1024x256xf32>
      %dot_general3A_435 = tpu.matmul %concatenate3A_230, %get3A_433, %dot_general3A_434 {dimension_numbers = #tpu.dot_dimension_numbers<[1], [1], [0], [0], [0, 0, 1, 0], [], []>, transpose_lhs_hint = false} : vector<1024x128xbf16>, vector<256x128xbf16>, vector<1024x256xf32> -> vector<1024x256xf32>
      %mul3A_436 = arith.constant 256 : i32
      %mul3A_437 = arith.muli %while3A_420, %mul3A_436 : i32
      %get3A_438 = arith.constant 0 : index
      %get3A_439 = arith.index_cast %mul3A_437 : i32 to index
      %get3A_440 = arith.constant 256 : index
      %get3A_441 = vector.load %arg4[%get3A_438, %get3A_439, %get3A_440] : memref<1x1024x512xbf16, #tpu.memory_space<vmem>>, vector<1x256x128xbf16>
      %get3A_442 = vector.shape_cast %get3A_441 : vector<1x256x128xbf16> to vector<256x128xbf16>
      %reduce_max3A_443 = arith.constant dense<0xFF800000> : vector<1024xf32>
      %reduce_max3A_444 = vector.multi_reduction <maximumf>, %while3A_424, %reduce_max3A_443 [1] : vector<1024x256xf32> to vector<1024xf32>
      %broadcast_in_dim3A_445 = vector.shape_cast %reduce_max3A_444 : vector<1024xf32> to vector<1024x1xf32>
      %max3A_446 = arith.maximumf %while3A_421, %broadcast_in_dim3A_445 : vector<1024x1xf32>
      %sub3A_447 = vector.broadcast %max3A_446 : vector<1024x1xf32> to vector<1024x256xf32>
      %sub3A_448 = arith.subf %while3A_424, %sub3A_447 : vector<1024x256xf32>
      %exp23A_449 = math.exp2 %sub3A_448 : vector<1024x256xf32>
      %sub3A_450 = arith.subf %while3A_421, %max3A_446 : vector<1024x1xf32>
      %exp23A_451 = math.exp2 %sub3A_450 : vector<1024x1xf32>
      %mul3A_452 = vector.broadcast %exp23A_451 : vector<1024x1xf32> to vector<1024x128xf32>
      %mul3A_453 = arith.mulf %while3A_423, %mul3A_452 : vector<1024x128xf32>
      %convert_element_type3A_454 = arith.truncf %exp23A_449 : vector<1024x256xf32> to vector<1024x256xbf16>
      %dot_general3A_455 = arith.constant dense<0.000000e+00> : vector<1024x128xf32>
      %dot_general3A_456 = tpu.matmul %convert_element_type3A_454, %get3A_442, %dot_general3A_455 {dimension_numbers = #tpu.dot_dimension_numbers<[1], [0], [0], [1], [0, 0, 1, 1], [], []>, transpose_lhs_hint = false} : vector<1024x256xbf16>, vector<256x128xbf16>, vector<1024x128xf32> -> vector<1024x128xf32>
      %add3A_457 = arith.addf %mul3A_453, %dot_general3A_456 : vector<1024x128xf32>
      %mul3A_458 = arith.mulf %while3A_422, %exp23A_451 : vector<1024x1xf32>
      %reduce_sum3A_459 = arith.constant dense<0.000000e+00> : vector<1024xf32>
      %reduce_sum3A_460 = vector.multi_reduction <add>, %exp23A_449, %reduce_sum3A_459 [1] : vector<1024x256xf32> to vector<1024xf32>
      %broadcast_in_dim3A_461 = vector.shape_cast %reduce_sum3A_460 : vector<1024xf32> to vector<1024x1xf32>
      %add3A_462 = arith.addf %mul3A_458, %broadcast_in_dim3A_461 : vector<1024x1xf32>
      scf.yield %max3A_446, %add3A_462, %add3A_457, %dot_general3A_435 : vector<1024x1xf32>, vector<1024x1xf32>, vector<1024x128xf32>, vector<1024x256xf32>
    }
    %while3A_253 = arith.constant 1 : i32
    %while3A_254:4 = scf.for %while3A_420 = %while3A_250 to %while3A_246 step %while3A_253 iter_args(%while3A_421 = %while3A_252#0, %while3A_422 = %while3A_252#1, %while3A_423 = %while3A_252#2, %while3A_424 = %while3A_252#3) -> (vector<1024x1xf32>, vector<1024x1xf32>, vector<1024x128xf32>, vector<1024x256xf32>)  : i32 {
      %add3A_425 = arith.constant 1 : i32
      %add3A_426 = arith.addi %while3A_420, %add3A_425 : i32
      %mul3A_427 = arith.constant 256 : i32
      %mul3A_428 = arith.muli %add3A_426, %mul3A_427 : i32
      %get3A_429 = arith.constant 0 : index
      %get3A_430 = arith.index_cast %mul3A_428 : i32 to index
      %get3A_431 = arith.constant 256 : index
      %get3A_432 = vector.load %arg3[%get3A_429, %get3A_430, %get3A_431] : memref<1x1024x512xbf16, #tpu.memory_space<vmem>>, vector<1x256x128xbf16>
      %get3A_433 = vector.shape_cast %get3A_432 : vector<1x256x128xbf16> to vector<256x128xbf16>
      %dot_general3A_434 = arith.constant dense<0.000000e+00> : vector<1024x256xf32>
      %dot_general3A_435 = tpu.matmul %concatenate3A_230, %get3A_433, %dot_general3A_434 {dimension_numbers = #tpu.dot_dimension_numbers<[1], [1], [0], [0], [0, 0, 1, 0], [], []>, transpose_lhs_hint = false} : vector<1024x128xbf16>, vector<256x128xbf16>, vector<1024x256xf32> -> vector<1024x256xf32>
      %mul3A_436 = arith.constant 256 : i32
      %mul3A_437 = arith.muli %while3A_420, %mul3A_436 : i32
      %get3A_438 = arith.constant 0 : index
      %get3A_439 = arith.index_cast %mul3A_437 : i32 to index
      %get3A_440 = arith.constant 256 : index
      %get3A_441 = vector.load %arg4[%get3A_438, %get3A_439, %get3A_440] : memref<1x1024x512xbf16, #tpu.memory_space<vmem>>, vector<1x256x128xbf16>
      %get3A_442 = vector.shape_cast %get3A_441 : vector<1x256x128xbf16> to vector<256x128xbf16>
      %reduce_max3A_443 = arith.constant dense<0xFF800000> : vector<1024xf32>
      %reduce_max3A_444 = vector.multi_reduction <maximumf>, %while3A_424, %reduce_max3A_443 [1] : vector<1024x256xf32> to vector<1024xf32>
      %broadcast_in_dim3A_445 = vector.shape_cast %reduce_max3A_444 : vector<1024xf32> to vector<1024x1xf32>
      %max3A_446 = arith.maximumf %while3A_421, %broadcast_in_dim3A_445 : vector<1024x1xf32>
      %sub3A_447 = vector.broadcast %max3A_446 : vector<1024x1xf32> to vector<1024x256xf32>
      %sub3A_448 = arith.subf %while3A_424, %sub3A_447 : vector<1024x256xf32>
      %exp23A_449 = math.exp2 %sub3A_448 : vector<1024x256xf32>
      %sub3A_450 = arith.subf %while3A_421, %max3A_446 : vector<1024x1xf32>
      %exp23A_451 = math.exp2 %sub3A_450 : vector<1024x1xf32>
      %mul3A_452 = vector.broadcast %exp23A_451 : vector<1024x1xf32> to vector<1024x128xf32>
      %mul3A_453 = arith.mulf %while3A_423, %mul3A_452 : vector<1024x128xf32>
      %convert_element_type3A_454 = arith.truncf %exp23A_449 : vector<1024x256xf32> to vector<1024x256xbf16>
      %dot_general3A_455 = arith.constant dense<0.000000e+00> : vector<1024x128xf32>
      %dot_general3A_456 = tpu.matmul %convert_element_type3A_454, %get3A_442, %dot_general3A_455 {dimension_numbers = #tpu.dot_dimension_numbers<[1], [0], [0], [1], [0, 0, 1, 1], [], []>, transpose_lhs_hint = false} : vector<1024x256xbf16>, vector<256x128xbf16>, vector<1024x128xf32> -> vector<1024x128xf32>
      %add3A_457 = arith.addf %mul3A_453, %dot_general3A_456 : vector<1024x128xf32>
      %mul3A_458 = arith.mulf %while3A_422, %exp23A_451 : vector<1024x1xf32>
      %reduce_sum3A_459 = arith.constant dense<0.000000e+00> : vector<1024xf32>
      %reduce_sum3A_460 = vector.multi_reduction <add>, %exp23A_449, %reduce_sum3A_459 [1] : vector<1024x256xf32> to vector<1024xf32>
      %broadcast_in_dim3A_461 = vector.shape_cast %reduce_sum3A_460 : vector<1024xf32> to vector<1024x1xf32>
      %add3A_462 = arith.addf %mul3A_458, %broadcast_in_dim3A_461 : vector<1024x1xf32>
      scf.yield %max3A_446, %add3A_462, %add3A_457, %dot_general3A_435 : vector<1024x1xf32>, vector<1024x1xf32>, vector<1024x128xf32>, vector<1024x256xf32>
    }
    %jit3A_255 = arith.constant -1.000000e+30 : f32
    %broadcast_in_dim3A_256 = vector.broadcast %jit3A_255 : f32 to vector<1024x256xf32>
    %select_n3A_257 = arith.select %ge3A, %while3A_254#3, %broadcast_in_dim3A_256 : vector<1024x256xi1>, vector<1024x256xf32>
    %mul3A_258 = arith.constant 256 : i32
    %mul3A_259 = arith.muli %arg1, %mul3A_258 : i32
    %get3A_260 = arith.constant 0 : index
    %get3A_261 = arith.index_cast %mul3A_259 : i32 to index
    %get3A_262 = arith.constant 256 : index
    %get3A_263 = vector.load %arg4[%get3A_260, %get3A_261, %get3A_262] : memref<1x1024x512xbf16, #tpu.memory_space<vmem>>, vector<1x256x128xbf16>
    %get3A_264 = vector.shape_cast %get3A_263 : vector<1x256x128xbf16> to vector<256x128xbf16>
    %reduce_max3A_265 = arith.constant dense<0xFF800000> : vector<1024xf32>
    %reduce_max3A_266 = vector.multi_reduction <maximumf>, %select_n3A_257, %reduce_max3A_265 [1] : vector<1024x256xf32> to vector<1024xf32>
    %broadcast_in_dim3A_267 = vector.shape_cast %reduce_max3A_266 : vector<1024xf32> to vector<1024x1xf32>
    %max3A_268 = arith.maximumf %while3A_254#0, %broadcast_in_dim3A_267 : vector<1024x1xf32>
    %sub3A_269 = vector.broadcast %max3A_268 : vector<1024x1xf32> to vector<1024x256xf32>
    %sub3A_270 = arith.subf %select_n3A_257, %sub3A_269 : vector<1024x256xf32>
    %exp23A_271 = math.exp2 %sub3A_270 : vector<1024x256xf32>
    %sub3A_272 = arith.subf %while3A_254#0, %max3A_268 : vector<1024x1xf32>
    %exp23A_273 = math.exp2 %sub3A_272 : vector<1024x1xf32>
    %mul3A_274 = vector.broadcast %exp23A_273 : vector<1024x1xf32> to vector<1024x128xf32>
    %mul3A_275 = arith.mulf %while3A_254#2, %mul3A_274 : vector<1024x128xf32>
    %convert_element_type3A_276 = arith.truncf %exp23A_271 : vector<1024x256xf32> to vector<1024x256xbf16>
    %dot_general3A_277 = arith.constant dense<0.000000e+00> : vector<1024x128xf32>
    %dot_general3A_278 = tpu.matmul %convert_element_type3A_276, %get3A_264, %dot_general3A_277 {dimension_numbers = #tpu.dot_dimension_numbers<[1], [0], [0], [1], [0, 0, 1, 1], [], []>, transpose_lhs_hint = false} : vector<1024x256xbf16>, vector<256x128xbf16>, vector<1024x128xf32> -> vector<1024x128xf32>
    %add3A_279 = arith.addf %mul3A_275, %dot_general3A_278 : vector<1024x128xf32>
    %mul3A_280 = arith.mulf %while3A_254#1, %exp23A_273 : vector<1024x1xf32>
    %reduce_sum3A_281 = arith.constant dense<0.000000e+00> : vector<1024xf32>
    %reduce_sum3A_282 = vector.multi_reduction <add>, %exp23A_271, %reduce_sum3A_281 [1] : vector<1024x256xf32> to vector<1024xf32>
    %broadcast_in_dim3A_283 = vector.shape_cast %reduce_sum3A_282 : vector<1024xf32> to vector<1024x1xf32>
    %add3A_284 = arith.addf %mul3A_280, %broadcast_in_dim3A_283 : vector<1024x1xf32>
    %div3A_285 = vector.broadcast %add3A_284 : vector<1024x1xf32> to vector<1024x128xf32>
    %div3A_286 = arith.divf %add3A_279, %div3A_285 : vector<1024x128xf32>
    %slice3A_287 = vector.extract_strided_slice %div3A_286 {offsets = [0, 0], sizes = [256, 128], strides = [1, 1]} : vector<1024x128xf32> to vector<256x128xf32>
    %swap3A_288 = arith.constant 0 : index
    %swap3A_289 = arith.constant 0 : index
    %swap3A_290 = arith.constant 1024 : index
    %swap3A_291 = vector.load %arg5[%swap3A_288, %swap3A_289, %swap3A_290] : memref<1x256x2048xf32, #tpu.memory_space<vmem>>, vector<1x256x128xf32>
    %swap3A_292 = vector.shape_cast %swap3A_291 : vector<1x256x128xf32> to vector<256x128xf32>
    %swap3A_293 = vector.shape_cast %slice3A_287 : vector<256x128xf32> to vector<1x256x128xf32>
    tpu.vector_store %arg5[%swap3A_288, %swap3A_289, %swap3A_290], %swap3A_293 {strides = array<i32>} : memref<1x256x2048xf32, #tpu.memory_space<vmem>>, vector<1x256x128xf32>,
    %slice3A_294 = vector.extract_strided_slice %div3A_286 {offsets = [256, 0], sizes = [256, 128], strides = [1, 1]} : vector<1024x128xf32> to vector<256x128xf32>
    %swap3A_295 = arith.constant 0 : index
    %swap3A_296 = arith.constant 0 : index
    %swap3A_297 = arith.constant 1152 : index
    %swap3A_298 = vector.load %arg5[%swap3A_295, %swap3A_296, %swap3A_297] : memref<1x256x2048xf32, #tpu.memory_space<vmem>>, vector<1x256x128xf32>
    %swap3A_299 = vector.shape_cast %swap3A_298 : vector<1x256x128xf32> to vector<256x128xf32>
    %swap3A_300 = vector.shape_cast %slice3A_294 : vector<256x128xf32> to vector<1x256x128xf32>
    tpu.vector_store %arg5[%swap3A_295, %swap3A_296, %swap3A_297], %swap3A_300 {strides = array<i32>} : memref<1x256x2048xf32, #tpu.memory_space<vmem>>, vector<1x256x128xf32>,
    %slice3A_301 = vector.extract_strided_slice %div3A_286 {offsets = [512, 0], sizes = [256, 128], strides = [1, 1]} : vector<1024x128xf32> to vector<256x128xf32>
    %swap3A_302 = arith.constant 0 : index
    %swap3A_303 = arith.constant 0 : index
    %swap3A_304 = arith.constant 1280 : index
    %swap3A_305 = vector.load %arg5[%swap3A_302, %swap3A_303, %swap3A_304] : memref<1x256x2048xf32, #tpu.memory_space<vmem>>, vector<1x256x128xf32>
    %swap3A_306 = vector.shape_cast %swap3A_305 : vector<1x256x128xf32> to vector<256x128xf32>
    %swap3A_307 = vector.shape_cast %slice3A_301 : vector<256x128xf32> to vector<1x256x128xf32>
    tpu.vector_store %arg5[%swap3A_302, %swap3A_303, %swap3A_304], %swap3A_307 {strides = array<i32>} : memref<1x256x2048xf32, #tpu.memory_space<vmem>>, vector<1x256x128xf32>,
    %slice3A_308 = vector.extract_strided_slice %div3A_286 {offsets = [768, 0], sizes = [256, 128], strides = [1, 1]} : vector<1024x128xf32> to vector<256x128xf32>
    %swap3A_309 = arith.constant 0 : index
    %swap3A_310 = arith.constant 0 : index
    %swap3A_311 = arith.constant 1408 : index
    %swap3A_312 = vector.load %arg5[%swap3A_309, %swap3A_310, %swap3A_311] : memref<1x256x2048xf32, #tpu.memory_space<vmem>>, vector<1x256x128xf32>
    %swap3A_313 = vector.shape_cast %swap3A_312 : vector<1x256x128xf32> to vector<256x128xf32>
    %swap3A_314 = vector.shape_cast %slice3A_308 : vector<256x128xf32> to vector<1x256x128xf32>
    tpu.vector_store %arg5[%swap3A_309, %swap3A_310, %swap3A_311], %swap3A_314 {strides = array<i32>} : memref<1x256x2048xf32, #tpu.memory_space<vmem>>, vector<1x256x128xf32>,
    %get3A_315 = arith.constant 0 : index
    %get3A_316 = arith.constant 0 : index
    %get3A_317 = arith.constant 1536 : index
    %get3A_318 = vector.load %arg2[%get3A_315, %get3A_316, %get3A_317] : memref<1x256x2048xbf16, #tpu.memory_space<vmem>>, vector<1x256x128xbf16>
    %get3A_319 = vector.shape_cast %get3A_318 : vector<1x256x128xbf16> to vector<256x128xbf16>
    %get3A_320 = arith.constant 0 : index
    %get3A_321 = arith.constant 0 : index
    %get3A_322 = arith.constant 1664 : index
    %get3A_323 = vector.load %arg2[%get3A_320, %get3A_321, %get3A_322] : memref<1x256x2048xbf16, #tpu.memory_space<vmem>>, vector<1x256x128xbf16>
    %get3A_324 = vector.shape_cast %get3A_323 : vector<1x256x128xbf16> to vector<256x128xbf16>
    %get3A_325 = arith.constant 0 : index
    %get3A_326 = arith.constant 0 : index
    %get3A_327 = arith.constant 1792 : index
    %get3A_328 = vector.load %arg2[%get3A_325, %get3A_326, %get3A_327] : memref<1x256x2048xbf16, #tpu.memory_space<vmem>>, vector<1x256x128xbf16>
    %get3A_329 = vector.shape_cast %get3A_328 : vector<1x256x128xbf16> to vector<256x128xbf16>
    %get3A_330 = arith.constant 0 : index
    %get3A_331 = arith.constant 0 : index
    %get3A_332 = arith.constant 1920 : index
    %get3A_333 = vector.load %arg2[%get3A_330, %get3A_331, %get3A_332] : memref<1x256x2048xbf16, #tpu.memory_space<vmem>>, vector<1x256x128xbf16>
    %get3A_334 = vector.shape_cast %get3A_333 : vector<1x256x128xbf16> to vector<256x128xbf16>
    %concatenate3A_335 = tpu.concatenate %get3A_319, %get3A_324, %get3A_329, %get3A_334 in 0 : vector<256x128xbf16>, vector<256x128xbf16>, vector<256x128xbf16>, vector<256x128xbf16> -> vector<1024x128xbf16>
    %broadcast_in_dim3A_336 = arith.constant -1.000000e+30 : f32
    %broadcast_in_dim3A_337 = vector.broadcast %broadcast_in_dim3A_336 : f32 to vector<1024x1xf32>
    %broadcast_in_dim3A_338 = arith.constant 0.000000e+00 : f32
    %broadcast_in_dim3A_339 = vector.broadcast %broadcast_in_dim3A_338 : f32 to vector<1024x1xf32>
    %broadcast_in_dim3A_340 = arith.constant 0.000000e+00 : f32
    %broadcast_in_dim3A_341 = vector.broadcast %broadcast_in_dim3A_340 : f32 to vector<1024x128xf32>
    %get3A_342 = arith.constant 0 : index
    %get3A_343 = arith.constant 0 : index
    %get3A_344 = arith.constant 384 : index
    %get3A_345 = vector.load %arg3[%get3A_342, %get3A_343, %get3A_344] : memref<1x1024x512xbf16, #tpu.memory_space<vmem>>, vector<1x256x128xbf16>
    %get3A_346 = vector.shape_cast %get3A_345 : vector<1x256x128xbf16> to vector<256x128xbf16>
    %dot_general3A_347 = arith.constant dense<0.000000e+00> : vector<1024x256xf32>
    %dot_general3A_348 = tpu.matmul %concatenate3A_335, %get3A_346, %dot_general3A_347 {dimension_numbers = #tpu.dot_dimension_numbers<[1], [1], [0], [0], [0, 0, 1, 0], [], []>, transpose_lhs_hint = false} : vector<1024x128xbf16>, vector<256x128xbf16>, vector<1024x256xf32> -> vector<1024x256xf32>
    %while3A_349 = arith.constant 0 : i32
    %while3A_350 = arith.subi %arg1, %while3A_349 : i32
    %while3A_351 = arith.addi %while3A_349, %while3A_350 : i32
    %while3A_352 = arith.constant 1 : i32
    %while3A_353 = arith.divsi %while3A_350, %while3A_352 : i32
    %while3A_354 = arith.muli %while3A_353, %while3A_352 : i32
    %while3A_355 = arith.addi %while3A_349, %while3A_354 : i32
    %while3A_356 = arith.constant 1 : i32
    %while3A_357:4 = scf.for %while3A_420 = %while3A_349 to %while3A_355 step %while3A_356 iter_args(%while3A_421 = %broadcast_in_dim3A_337, %while3A_422 = %broadcast_in_dim3A_339, %while3A_423 = %broadcast_in_dim3A_341, %while3A_424 = %dot_general3A_348) -> (vector<1024x1xf32>, vector<1024x1xf32>, vector<1024x128xf32>, vector<1024x256xf32>)  : i32 {
      %add3A_425 = arith.constant 1 : i32
      %add3A_426 = arith.addi %while3A_420, %add3A_425 : i32
      %mul3A_427 = arith.constant 256 : i32
      %mul3A_428 = arith.muli %add3A_426, %mul3A_427 : i32
      %get3A_429 = arith.constant 0 : index
      %get3A_430 = arith.index_cast %mul3A_428 : i32 to index
      %get3A_431 = arith.constant 384 : index
      %get3A_432 = vector.load %arg3[%get3A_429, %get3A_430, %get3A_431] : memref<1x1024x512xbf16, #tpu.memory_space<vmem>>, vector<1x256x128xbf16>
      %get3A_433 = vector.shape_cast %get3A_432 : vector<1x256x128xbf16> to vector<256x128xbf16>
      %dot_general3A_434 = arith.constant dense<0.000000e+00> : vector<1024x256xf32>
      %dot_general3A_435 = tpu.matmul %concatenate3A_335, %get3A_433, %dot_general3A_434 {dimension_numbers = #tpu.dot_dimension_numbers<[1], [1], [0], [0], [0, 0, 1, 0], [], []>, transpose_lhs_hint = false} : vector<1024x128xbf16>, vector<256x128xbf16>, vector<1024x256xf32> -> vector<1024x256xf32>
      %mul3A_436 = arith.constant 256 : i32
      %mul3A_437 = arith.muli %while3A_420, %mul3A_436 : i32
      %get3A_438 = arith.constant 0 : index
      %get3A_439 = arith.index_cast %mul3A_437 : i32 to index
      %get3A_440 = arith.constant 384 : index
      %get3A_441 = vector.load %arg4[%get3A_438, %get3A_439, %get3A_440] : memref<1x1024x512xbf16, #tpu.memory_space<vmem>>, vector<1x256x128xbf16>
      %get3A_442 = vector.shape_cast %get3A_441 : vector<1x256x128xbf16> to vector<256x128xbf16>
      %reduce_max3A_443 = arith.constant dense<0xFF800000> : vector<1024xf32>
      %reduce_max3A_444 = vector.multi_reduction <maximumf>, %while3A_424, %reduce_max3A_443 [1] : vector<1024x256xf32> to vector<1024xf32>
      %broadcast_in_dim3A_445 = vector.shape_cast %reduce_max3A_444 : vector<1024xf32> to vector<1024x1xf32>
      %max3A_446 = arith.maximumf %while3A_421, %broadcast_in_dim3A_445 : vector<1024x1xf32>
      %sub3A_447 = vector.broadcast %max3A_446 : vector<1024x1xf32> to vector<1024x256xf32>
      %sub3A_448 = arith.subf %while3A_424, %sub3A_447 : vector<1024x256xf32>
      %exp23A_449 = math.exp2 %sub3A_448 : vector<1024x256xf32>
      %sub3A_450 = arith.subf %while3A_421, %max3A_446 : vector<1024x1xf32>
      %exp23A_451 = math.exp2 %sub3A_450 : vector<1024x1xf32>
      %mul3A_452 = vector.broadcast %exp23A_451 : vector<1024x1xf32> to vector<1024x128xf32>
      %mul3A_453 = arith.mulf %while3A_423, %mul3A_452 : vector<1024x128xf32>
      %convert_element_type3A_454 = arith.truncf %exp23A_449 : vector<1024x256xf32> to vector<1024x256xbf16>
      %dot_general3A_455 = arith.constant dense<0.000000e+00> : vector<1024x128xf32>
      %dot_general3A_456 = tpu.matmul %convert_element_type3A_454, %get3A_442, %dot_general3A_455 {dimension_numbers = #tpu.dot_dimension_numbers<[1], [0], [0], [1], [0, 0, 1, 1], [], []>, transpose_lhs_hint = false} : vector<1024x256xbf16>, vector<256x128xbf16>, vector<1024x128xf32> -> vector<1024x128xf32>
      %add3A_457 = arith.addf %mul3A_453, %dot_general3A_456 : vector<1024x128xf32>
      %mul3A_458 = arith.mulf %while3A_422, %exp23A_451 : vector<1024x1xf32>
      %reduce_sum3A_459 = arith.constant dense<0.000000e+00> : vector<1024xf32>
      %reduce_sum3A_460 = vector.multi_reduction <add>, %exp23A_449, %reduce_sum3A_459 [1] : vector<1024x256xf32> to vector<1024xf32>
      %broadcast_in_dim3A_461 = vector.shape_cast %reduce_sum3A_460 : vector<1024xf32> to vector<1024x1xf32>
      %add3A_462 = arith.addf %mul3A_458, %broadcast_in_dim3A_461 : vector<1024x1xf32>
      scf.yield %max3A_446, %add3A_462, %add3A_457, %dot_general3A_435 : vector<1024x1xf32>, vector<1024x1xf32>, vector<1024x128xf32>, vector<1024x256xf32>
    }
    %while3A_358 = arith.constant 1 : i32
    %while3A_359:4 = scf.for %while3A_420 = %while3A_355 to %while3A_351 step %while3A_358 iter_args(%while3A_421 = %while3A_357#0, %while3A_422 = %while3A_357#1, %while3A_423 = %while3A_357#2, %while3A_424 = %while3A_357#3) -> (vector<1024x1xf32>, vector<1024x1xf32>, vector<1024x128xf32>, vector<1024x256xf32>)  : i32 {
      %add3A_425 = arith.constant 1 : i32
      %add3A_426 = arith.addi %while3A_420, %add3A_425 : i32
      %mul3A_427 = arith.constant 256 : i32
      %mul3A_428 = arith.muli %add3A_426, %mul3A_427 : i32
      %get3A_429 = arith.constant 0 : index
      %get3A_430 = arith.index_cast %mul3A_428 : i32 to index
      %get3A_431 = arith.constant 384 : index
      %get3A_432 = vector.load %arg3[%get3A_429, %get3A_430, %get3A_431] : memref<1x1024x512xbf16, #tpu.memory_space<vmem>>, vector<1x256x128xbf16>
      %get3A_433 = vector.shape_cast %get3A_432 : vector<1x256x128xbf16> to vector<256x128xbf16>
      %dot_general3A_434 = arith.constant dense<0.000000e+00> : vector<1024x256xf32>
      %dot_general3A_435 = tpu.matmul %concatenate3A_335, %get3A_433, %dot_general3A_434 {dimension_numbers = #tpu.dot_dimension_numbers<[1], [1], [0], [0], [0, 0, 1, 0], [], []>, transpose_lhs_hint = false} : vector<1024x128xbf16>, vector<256x128xbf16>, vector<1024x256xf32> -> vector<1024x256xf32>
      %mul3A_436 = arith.constant 256 : i32
      %mul3A_437 = arith.muli %while3A_420, %mul3A_436 : i32
      %get3A_438 = arith.constant 0 : index
      %get3A_439 = arith.index_cast %mul3A_437 : i32 to index
      %get3A_440 = arith.constant 384 : index
      %get3A_441 = vector.load %arg4[%get3A_438, %get3A_439, %get3A_440] : memref<1x1024x512xbf16, #tpu.memory_space<vmem>>, vector<1x256x128xbf16>
      %get3A_442 = vector.shape_cast %get3A_441 : vector<1x256x128xbf16> to vector<256x128xbf16>
      %reduce_max3A_443 = arith.constant dense<0xFF800000> : vector<1024xf32>
      %reduce_max3A_444 = vector.multi_reduction <maximumf>, %while3A_424, %reduce_max3A_443 [1] : vector<1024x256xf32> to vector<1024xf32>
      %broadcast_in_dim3A_445 = vector.shape_cast %reduce_max3A_444 : vector<1024xf32> to vector<1024x1xf32>
      %max3A_446 = arith.maximumf %while3A_421, %broadcast_in_dim3A_445 : vector<1024x1xf32>
      %sub3A_447 = vector.broadcast %max3A_446 : vector<1024x1xf32> to vector<1024x256xf32>
      %sub3A_448 = arith.subf %while3A_424, %sub3A_447 : vector<1024x256xf32>
      %exp23A_449 = math.exp2 %sub3A_448 : vector<1024x256xf32>
      %sub3A_450 = arith.subf %while3A_421, %max3A_446 : vector<1024x1xf32>
      %exp23A_451 = math.exp2 %sub3A_450 : vector<1024x1xf32>
      %mul3A_452 = vector.broadcast %exp23A_451 : vector<1024x1xf32> to vector<1024x128xf32>
      %mul3A_453 = arith.mulf %while3A_423, %mul3A_452 : vector<1024x128xf32>
      %convert_element_type3A_454 = arith.truncf %exp23A_449 : vector<1024x256xf32> to vector<1024x256xbf16>
      %dot_general3A_455 = arith.constant dense<0.000000e+00> : vector<1024x128xf32>
      %dot_general3A_456 = tpu.matmul %convert_element_type3A_454, %get3A_442, %dot_general3A_455 {dimension_numbers = #tpu.dot_dimension_numbers<[1], [0], [0], [1], [0, 0, 1, 1], [], []>, transpose_lhs_hint = false} : vector<1024x256xbf16>, vector<256x128xbf16>, vector<1024x128xf32> -> vector<1024x128xf32>
      %add3A_457 = arith.addf %mul3A_453, %dot_general3A_456 : vector<1024x128xf32>
      %mul3A_458 = arith.mulf %while3A_422, %exp23A_451 : vector<1024x1xf32>
      %reduce_sum3A_459 = arith.constant dense<0.000000e+00> : vector<1024xf32>
      %reduce_sum3A_460 = vector.multi_reduction <add>, %exp23A_449, %reduce_sum3A_459 [1] : vector<1024x256xf32> to vector<1024xf32>
      %broadcast_in_dim3A_461 = vector.shape_cast %reduce_sum3A_460 : vector<1024xf32> to vector<1024x1xf32>
      %add3A_462 = arith.addf %mul3A_458, %broadcast_in_dim3A_461 : vector<1024x1xf32>
      scf.yield %max3A_446, %add3A_462, %add3A_457, %dot_general3A_435 : vector<1024x1xf32>, vector<1024x1xf32>, vector<1024x128xf32>, vector<1024x256xf32>
    }
    %jit3A_360 = arith.constant -1.000000e+30 : f32
    %broadcast_in_dim3A_361 = vector.broadcast %jit3A_360 : f32 to vector<1024x256xf32>
    %select_n3A_362 = arith.select %ge3A, %while3A_359#3, %broadcast_in_dim3A_361 : vector<1024x256xi1>, vector<1024x256xf32>
    %mul3A_363 = arith.constant 256 : i32
    %mul3A_364 = arith.muli %arg1, %mul3A_363 : i32
    %get3A_365 = arith.constant 0 : index
    %get3A_366 = arith.index_cast %mul3A_364 : i32 to index
    %get3A_367 = arith.constant 384 : index
    %get3A_368 = vector.load %arg4[%get3A_365, %get3A_366, %get3A_367] : memref<1x1024x512xbf16, #tpu.memory_space<vmem>>, vector<1x256x128xbf16>
    %get3A_369 = vector.shape_cast %get3A_368 : vector<1x256x128xbf16> to vector<256x128xbf16>
    %reduce_max3A_370 = arith.constant dense<0xFF800000> : vector<1024xf32>
    %reduce_max3A_371 = vector.multi_reduction <maximumf>, %select_n3A_362, %reduce_max3A_370 [1] : vector<1024x256xf32> to vector<1024xf32>
    %broadcast_in_dim3A_372 = vector.shape_cast %reduce_max3A_371 : vector<1024xf32> to vector<1024x1xf32>
    %max3A_373 = arith.maximumf %while3A_359#0, %broadcast_in_dim3A_372 : vector<1024x1xf32>
    %sub3A_374 = vector.broadcast %max3A_373 : vector<1024x1xf32> to vector<1024x256xf32>
    %sub3A_375 = arith.subf %select_n3A_362, %sub3A_374 : vector<1024x256xf32>
    %exp23A_376 = math.exp2 %sub3A_375 : vector<1024x256xf32>
    %sub3A_377 = arith.subf %while3A_359#0, %max3A_373 : vector<1024x1xf32>
    %exp23A_378 = math.exp2 %sub3A_377 : vector<1024x1xf32>
    %mul3A_379 = vector.broadcast %exp23A_378 : vector<1024x1xf32> to vector<1024x128xf32>
    %mul3A_380 = arith.mulf %while3A_359#2, %mul3A_379 : vector<1024x128xf32>
    %convert_element_type3A_381 = arith.truncf %exp23A_376 : vector<1024x256xf32> to vector<1024x256xbf16>
    %dot_general3A_382 = arith.constant dense<0.000000e+00> : vector<1024x128xf32>
    %dot_general3A_383 = tpu.matmul %convert_element_type3A_381, %get3A_369, %dot_general3A_382 {dimension_numbers = #tpu.dot_dimension_numbers<[1], [0], [0], [1], [0, 0, 1, 1], [], []>, transpose_lhs_hint = false} : vector<1024x256xbf16>, vector<256x128xbf16>, vector<1024x128xf32> -> vector<1024x128xf32>
    %add3A_384 = arith.addf %mul3A_380, %dot_general3A_383 : vector<1024x128xf32>
    %mul3A_385 = arith.mulf %while3A_359#1, %exp23A_378 : vector<1024x1xf32>
    %reduce_sum3A_386 = arith.constant dense<0.000000e+00> : vector<1024xf32>
    %reduce_sum3A_387 = vector.multi_reduction <add>, %exp23A_376, %reduce_sum3A_386 [1] : vector<1024x256xf32> to vector<1024xf32>
    %broadcast_in_dim3A_388 = vector.shape_cast %reduce_sum3A_387 : vector<1024xf32> to vector<1024x1xf32>
    %add3A_389 = arith.addf %mul3A_385, %broadcast_in_dim3A_388 : vector<1024x1xf32>
    %div3A_390 = vector.broadcast %add3A_389 : vector<1024x1xf32> to vector<1024x128xf32>
    %div3A_391 = arith.divf %add3A_384, %div3A_390 : vector<1024x128xf32>
    %slice3A_392 = vector.extract_strided_slice %div3A_391 {offsets = [0, 0], sizes = [256, 128], strides = [1, 1]} : vector<1024x128xf32> to vector<256x128xf32>
    %swap3A_393 = arith.constant 0 : index
    %swap3A_394 = arith.constant 0 : index
    %swap3A_395 = arith.constant 1536 : index
    %swap3A_396 = vector.load %arg5[%swap3A_393, %swap3A_394, %swap3A_395] : memref<1x256x2048xf32, #tpu.memory_space<vmem>>, vector<1x256x128xf32>
    %swap3A_397 = vector.shape_cast %swap3A_396 : vector<1x256x128xf32> to vector<256x128xf32>
    %swap3A_398 = vector.shape_cast %slice3A_392 : vector<256x128xf32> to vector<1x256x128xf32>
    tpu.vector_store %arg5[%swap3A_393, %swap3A_394, %swap3A_395], %swap3A_398 {strides = array<i32>} : memref<1x256x2048xf32, #tpu.memory_space<vmem>>, vector<1x256x128xf32>,
    %slice3A_399 = vector.extract_strided_slice %div3A_391 {offsets = [256, 0], sizes = [256, 128], strides = [1, 1]} : vector<1024x128xf32> to vector<256x128xf32>
    %swap3A_400 = arith.constant 0 : index
    %swap3A_401 = arith.constant 0 : index
    %swap3A_402 = arith.constant 1664 : index
    %swap3A_403 = vector.load %arg5[%swap3A_400, %swap3A_401, %swap3A_402] : memref<1x256x2048xf32, #tpu.memory_space<vmem>>, vector<1x256x128xf32>
    %swap3A_404 = vector.shape_cast %swap3A_403 : vector<1x256x128xf32> to vector<256x128xf32>
    %swap3A_405 = vector.shape_cast %slice3A_399 : vector<256x128xf32> to vector<1x256x128xf32>
    tpu.vector_store %arg5[%swap3A_400, %swap3A_401, %swap3A_402], %swap3A_405 {strides = array<i32>} : memref<1x256x2048xf32, #tpu.memory_space<vmem>>, vector<1x256x128xf32>,
    %slice3A_406 = vector.extract_strided_slice %div3A_391 {offsets = [512, 0], sizes = [256, 128], strides = [1, 1]} : vector<1024x128xf32> to vector<256x128xf32>
    %swap3A_407 = arith.constant 0 : index
    %swap3A_408 = arith.constant 0 : index
    %swap3A_409 = arith.constant 1792 : index
    %swap3A_410 = vector.load %arg5[%swap3A_407, %swap3A_408, %swap3A_409] : memref<1x256x2048xf32, #tpu.memory_space<vmem>>, vector<1x256x128xf32>
    %swap3A_411 = vector.shape_cast %swap3A_410 : vector<1x256x128xf32> to vector<256x128xf32>
    %swap3A_412 = vector.shape_cast %slice3A_406 : vector<256x128xf32> to vector<1x256x128xf32>
    tpu.vector_store %arg5[%swap3A_407, %swap3A_408, %swap3A_409], %swap3A_412 {strides = array<i32>} : memref<1x256x2048xf32, #tpu.memory_space<vmem>>, vector<1x256x128xf32>,
    %slice3A_413 = vector.extract_strided_slice %div3A_391 {offsets = [768, 0], sizes = [256, 128], strides = [1, 1]} : vector<1024x128xf32> to vector<256x128xf32>
    %swap3A_414 = arith.constant 0 : index
    %swap3A_415 = arith.constant 0 : index
    %swap3A_416 = arith.constant 1920 : index
    %swap3A_417 = vector.load %arg5[%swap3A_414, %swap3A_415, %swap3A_416] : memref<1x256x2048xf32, #tpu.memory_space<vmem>>, vector<1x256x128xf32>
    %swap3A_418 = vector.shape_cast %swap3A_417 : vector<1x256x128xf32> to vector<256x128xf32>
    %swap3A_419 = vector.shape_cast %slice3A_413 : vector<256x128xf32> to vector<1x256x128xf32>
    tpu.vector_store %arg5[%swap3A_414, %swap3A_415, %swap3A_416], %swap3A_419 {strides = array<i32>} : memref<1x256x2048xf32, #tpu.memory_space<vmem>>, vector<1x256x128xf32>,
    return
  }
  func.func @transform_0(%arg0: i32, %arg1: i32) -> (i32, i32, i32) {
    %c0_i32 = arith.constant 0 : i32
    %c0_i32_0 = arith.constant 0 : i32
    return %arg0, %arg1, %c0_i32 : i32, i32, i32
  }
  func.func @transform_1(%arg0: i32, %arg1: i32) -> (i32, i32, i32) {
    %c0_i32 = arith.constant 0 : i32
    %c0_i32_0 = arith.constant 0 : i32
    %c0_i32_1 = arith.constant 0 : i32
    return %arg0, %c0_i32, %c0_i32_0 : i32, i32, i32
  }
  func.func @transform_2(%arg0: i32, %arg1: i32) -> (i32, i32, i32) {
    %c0_i32 = arith.constant 0 : i32
    %c0_i32_0 = arith.constant 0 : i32
    %c0_i32_1 = arith.constant 0 : i32
    return %arg0, %c0_i32, %c0_i32_0 : i32, i32, i32
  }
  func.func @transform_3(%arg0: i32, %arg1: i32) -> (i32, i32, i32) {
    %c0_i32 = arith.constant 0 : i32
    %c0_i32_0 = arith.constant 0 : i32
    return %arg0, %arg1, %c0_i32 : i32, i32, i32
  }
}

</mosaic_0001>

<sc_bundles>
// kernel: sparse-core-data-format-call.cloned.1.call-start
scs
called_computation_lowered:
.L_overlay_start_0:
0x0: {  	s2 =	sld [smem:$0x3FD9]  }
0x1: {  	s3 =	sld [smem:$0x3FFE];
	_ =	sdelay $0x1  }
0x2: {  	s1 =	srdreg.scid  }
0x3: {  	s0 =	sand.u32 $0x1, s1  }
0x4: {  	s18 =	sshll.u32 s0, $0xA;
	s2 =	sadd.s32 s3, s2  }
0x5: {  	s2 =	sadd.s32 s2, s18  }
0x6: {  	[smem:$0x3FC5] =	sst s2  }
0x7: {  	_ = 	snop  }
0x8: {  	s2 =	sld [smem:$0x3FD0];
	(tm) =	ssettm $0x1  }
0x9: {  	s19 =	sld [smem:$0x3FFB];
	_ =	sdelay $0x3  }
0xa: {  	_ =	strace s19  }
0xb: {  	s3 =	sld [smem:$0x3FFC];
	_ =	sdelay $0x3  }
0xc: {  	_ =	strace s3  }
0xd: {  	s3 =	sld [smem:$0x3FFD];
	_ =	sdelay $0x3  }
0xe: {  	_ =	strace s3  }
0xf: {  	_ =	strace $0x8FFFFFFF  }
0x10: {  	s20 =	sld [smem:$0x3FDB];
	_ =	sdelay $0x1  }
0x11: {  	s4 =	simm.s32 $_scs_section_size  }
0x12: {  	s5 =	simm.s32 $_size__tile_overlayer_lowered;
	s6 =	simm.s32 $_tile_overlayer_lowered  }
0x13: {  	s23 =	simm.s32 $0x1BFF;
	s22 =	sshll.u32 s6, $0x1;
	s3 =	sadd.s32 s4, s20  }
0x14: {  	s7 =	simm.s32 $0x0;
	s21 =	sshll.u32 s5, $0x1;
	s5 =	sadd.s32 s22, s3  }
0x15: {  	[timem:s7], [sflag:s23] =	dma.local [hbm:s5], s21  }
0x16: {  	_ =	swait.ge [sflag:s23], s21  }
0x17: {  	s4 =	ssub.s32 $0x0, s21;
	[sflag:s23] =	ssyncset.done $0x0  }
0x18: {  	[sflag:s23] =	ssyncadd.s32 s4;
	_ =	sdelay $0x1  }
0x19: {  	s24 =	simm.s32 $0x1B8B  }
0x1a: {  	_ =	swait.ge [sflag:s24], $0x1  }
0x1b: {  	[sflag:s24] =	ssyncset.done $0x0  }
0x1c: {  	s26 =	simm.s32 $0x1B8E;
	s25 =	sld [smem:$0x3FFE];
	[sflag:s24] =	ssyncadd.s32 $0xFFFFFFFF  }
0x1d: {  	s27 =	simm.s32 $execute0_lowered;
	[smem:$0x3FD2] =	sst s26  }
0x1e: {  	s5 =	sshll.u32 s27, $0x1;
	_ =	strace $0x80000046;
	[dreg:$0x1] =	wrdreg $0xFFFFFFFF  }
0x1f: {  	s28 =	simm.s32 $_size_execute0_lowered;
	s3 =	sadd.s32 s3, s5;
	[dreg:$0x0] =	wrdreg $0x0  }
0x20: {  	s5 =	sshll.u32 s28, $0x1;
	[dreg:$0x2] =	wrdreg s3  }
0x21: {  	[dreg:$0x3] =	wrdreg s5  }
0x22: {  	[dreg:$0x4] =	wrdreg $0xC0  }
0x23: {  	_ =	task [dreg:s7], $0x5FFFF  }
0x24: {  	[dreg:$0x1] =	wrdreg $0xFFFFFFFF  }
0x25: {  	[dreg:$0x0] =	wrdreg $0x60  }
0x26: {  	[dreg:$0x2] =	wrdreg s25  }
0x27: {  	[dreg:$0x3] =	wrdreg s2  }
0x28: {  	[dreg:$0x4] =	wrdreg $0x9  }
0x29: {  	_ =	task.clear_ibuf [dreg:s7], $0x5FFFF;
	_ =	strace $0x90000046  }
0x2a: {  	s29 =	simm.s32 $0x9;
	_ =	strace $0x80000048  }
0x2b: {  	_ =	swait.ge [sflag:s29], $0x1  }
0x2c: {  	[sflag:s29] =	ssyncadd.s32 $0xFFFFFFFF  }
0x2d: {  	_ =	strace $0x90000048  }
0x2e: {  	_ =	sfence  }
0x2f: {  	s30 =	sld [smem:$0x0];
	_ =	sdelay $0x2  }
0x30: {  	s31 =	sshll.u32 s1, $0xD;
	s1 =	sshrl.u32 s1, $0x2  }
0x31: {  	s3 =	sand.u32 $0x4000, s31;
	s1 =	sadd.s32 s1, s30  }
0x32: {  	s0 =	sor.u32 s3, s0;
	s1 =	sshll.u32 s1, $0x11  }
0x33: {  	s0 =	sor.u32 s1, s0  }
0x34: {  	s0 =	sadd.s32 $0x8F2B, s0  }
0x35: {  	[sflag:s0] =	ssyncadd.remote.s32 $0x1  }
0x36: {  	_ =	sfence.sel $0xFFFF  }
0x37: {  	[dreg:$0x0] =	wrdreg $0xFFFFFFFF;
	(pc) =	sbr.abs _section_cstart, $3  }
0x38: {  	[dreg:$0x1] =	wrdreg $0xFFFFFFFF  }
0x39: {  	_ =	task.clear_ibuf [dreg:s7], $0x2FFFF;
	_ =	strace $0x9FFFFFFF  }
0x3a: {  	(tm) =	ssettm $0x7FFFFFFF  }
0x3b: {  	_ =	shalt  }
tec
execute0_lowered:
.L_overlay_start_1:
0x0: {  	(tag) =	ssettag $0x1  }
0x1: {  	s1 =	rddreg [dreg:$0x0]  }
0x2: {  	s2 =	rddreg [dreg:$0x1]  }
0x3: {  	s0 =	rddreg [dreg:$0x2];
	_ =	strace $0x80000047;
	s4 =	srdreg.scid  }
.Ltmp0:
0x4: {  	s6 =	simm.s32 $0x2;
	p0 =	por $0x0, $0x0;
	(pc) =	sbr.rel .LBB1_1-.Ltmp0, $4  }
0x5: {  	s9 =	simm.s32 $0x0;
	s3 =	sadd.s32 $0xC00, s1;
	s5 =	sshll.u32 s4, $0x4  }
0x6: {  	s1 =	stileid.u32;
	s4 =	simm.s32 $0x1;
	s5 =	sand.u32 $0x10, s5  }
0x7: {  	s7 =	simm.s32 $0x0;
	[sflag:s4] =	ssyncpa.u1 $0x0;
	s5 =	sor.u32 s1, s5  }
0x8: {  	[sflag:s6] =	ssyncpa.u1 $0x0;
	s6 =	simm.s32 $0x0;
	s8 =	smov.u32 s5  }
.LBB1_7:
0x9: {  	s11 =	sadd.s32 $0x20, s8  }
0xa: {  	p1 =	slt.u32 s7, $0x2;
	s7 =	sadd.s32 $0x1, s7;
	p2 =	sgt.s32 s11, $0x1FF  }
0xb: {  	s11 =	smov.u32 @p2 s5;
	p2 =	sne.s32 s7, $0x12  }
.Ltmp1:
0xc: {  	_ = 	snop;
	(pc) =	sbr.rel @!p2 .LBB1_8-.Ltmp1, $4  }
0xd: {  	s10 =	simm.s32 @!p1 $0x2  }
0xe: {  	_ =	swait.ge @!p1 [sflag:s10], $0x4000  }
0xf: {  	s9 =	smov.u32 s8;
	[sflag:s10] =	ssyncset.done @!p1 $0x0  }
0x10: {  	p0 =	por !p0, !p0;
	s8 =	smov.u32 s11;
	[sflag:s10] =	ssyncadd.s32 @!p1 $0xFFFFC000  }
.LBB1_1:
0x11: {  	p1 =	sgt.u32 s7, $0xF  }
0x12: {  	s10 =	sxor.u32 @!p1 $0xFFFFFFFF, s7  }
0x13: {  	s11 =	sshll.u32 @!p1 s8, $0xB;
	s10 =	sshll.u32 @!p1 s10, $0xE  }
0x14: {  	s12 =	simm.s32 @!p1 $0x0;
	s11 =	sadd.s32 @!p1 s3, s11;
	s10 =	sand.u32 @!p1 $0x4000, s10  }
0x15: {  	[tilespmem:s10], [sflag:$0x1] =	stream.linear.gather @!p1 [hbm4b:s11+s12], $0x4000, $0x38;
	[tilespmem:$0x10000] =	vst v63  }
0x16: {  	p1 =	seq.s32 s7, $0x0  }
0x17: {  	p2 =	seq.s32 @!p1 s7, $0x11  }
0x18: {  	p1 =	por p1, p2  }
.Ltmp2:
0x19: {  	_ = 	snop;
	(pc) =	sbr.rel @p1 .LBB1_7-.Ltmp2, $1  }
0x1a: {  	_ =	sdelay $0x3  }
0x1b: {  	s10 =	simm.s32 $0x1;
	_ =	swait.ge [sflag:s4], $0x4000;
	s12 =	sshll.u32 s7, $0xE  }
0x1c: {  	s13 =	simm.s32 $0x0;
	s10 =	simm.s32 @!p0 $0x0;
	[sflag:s4] =	ssyncset.done $0x0  }
0x1d: {  	s12 =	sand.u32 $0x4000, s12;
	s11 =	sshll.u32 s10, $0xE;
	[sflag:s4] =	ssyncadd.s32 $0xFFFFC000  }
0x1e: {  	s12 =	sor.u32 $0x8000, s12;
	s10 =	sor.u32 $0x8040, s11;
	s11 =	sor.u32 $0x40, s11  }
.LBB1_3:
0x1f: {  	v0 =	vmov s11;
	_ =	sdelay $0x3  }
0x20: {  	s15 =	simm.s32 $0x0  }
0x21: {  	v6 =	vld.idx.msk [tilespmem:v0+s15+$0x30 ss:$0x1], $0xffff  }
0x22: {  	v7 =	vld.idx.msk [tilespmem:v0+s15+$0xFFFFFFC0 ss:$0x1], $0xffff  }
0x23: {  	v5 =	vld.idx.msk [tilespmem:v0+s15+$0xFFFFFFD0 ss:$0x1], $0xffff  }
0x24: {  	v4 =	vld.idx.msk [tilespmem:v0+s15+$0xFFFFFFE0 ss:$0x1], $0xffff  }
0x25: {  	v3 =	vld.idx.msk [tilespmem:v0+s15+$0xFFFFFFF0 ss:$0x1], $0xffff  }
0x26: {  	v1 =	vld.idx.msk [tilespmem:v0+s15+$0x0 ss:$0x1], $0xffff  }
0x27: {  	v2 =	vld.idx.msk [tilespmem:v0+s15+$0x10 ss:$0x1], $0xffff;
	[tilespmem:s10+$0x30] =	vst v6  }
0x28: {  	s14 =	simm.s32 $0x80;
	s16 =	simm.s32 $0x400;
	[tilespmem:s10+$0xFFFFFFC0] =	vst v7;
	v6 =	vld.idx.msk [tilespmem:v0+s15+$0x20 ss:$0x1], $0xffff;
	s15 =	smov.u32 s10  }
.LBB1_4:
0x29: {  	p1 =	sne.s32 s16, $0xE00;
	v7 =	vld.idx.msk [tilespmem:v0+s14+$0x30 ss:$0x1], $0xffff;
	[tilespmem:s15+$0xFFFFFFD0] =	vst v5  }
0x2a: {  	v8 =	vld.idx.msk [tilespmem:v0+s14+$0xFFFFFFC0 ss:$0x1], $0xffff;
	[tilespmem:s15+$0xFFFFFFE0] =	vst v4  }
0x2b: {  	v5 =	vld.idx.msk [tilespmem:v0+s14+$0xFFFFFFD0 ss:$0x1], $0xffff;
	[tilespmem:s15+$0xFFFFFFF0] =	vst v3  }
.Ltmp3:
0x2c: {  	v4 =	vld.idx.msk [tilespmem:v0+s14+$0xFFFFFFE0 ss:$0x1], $0xffff;
	[tilespmem:s15+$0x0] =	vst v1;
	(pc) =	sbr.rel @p1 .LBB1_4-.Ltmp3, $4  }
0x2d: {  	v3 =	vld.idx.msk [tilespmem:v0+s14+$0xFFFFFFF0 ss:$0x1], $0xffff;
	[tilespmem:s15+$0x10] =	vst v2  }
0x2e: {  	v1 =	vld.idx.msk [tilespmem:v0+s14+$0x0 ss:$0x1], $0xffff;
	[tilespmem:s15+$0x20] =	vst v6;
	s15 =	sadd.s32 $0x800, s15  }
0x2f: {  	v2 =	vld.idx.msk [tilespmem:v0+s14+$0x10 ss:$0x1], $0xffff;
	[tilespmem:s15+$0x30] =	vst v7  }
0x30: {  	[tilespmem:s15+$0xFFFFFFC0] =	vst v8;
	v6 =	vld.idx.msk [tilespmem:v0+s14+$0x20 ss:$0x1], $0xffff;
	s14 =	sshra.s32 s16, $0x2;
	s16 =	sadd.s32 $0x200, s16  }
0x31: {  	_ =	sdelay $0x2  }
0x32: {  	[tilespmem:s15+$0xFFFFFFD0] =	vst v5  }
0x33: {  	v56 =	vld.idx.msk [tilespmem:v0+s14+$0x30 ss:$0x1], $0xffff;
	[tilespmem:s15+$0xFFFFFFE0] =	vst v4  }
0x34: {  	v57 =	vld.idx.msk [tilespmem:v0+s14+$0xFFFFFFC0 ss:$0x1], $0xffff;
	[tilespmem:s15+$0xFFFFFFF0] =	vst v3  }
0x35: {  	v58 =	vld.idx.msk [tilespmem:v0+s14+$0xFFFFFFD0 ss:$0x1], $0xffff;
	[tilespmem:s15+$0x0] =	vst v1  }
0x36: {  	v59 =	vld.idx.msk [tilespmem:v0+s14+$0xFFFFFFE0 ss:$0x1], $0xffff;
	[tilespmem:s15+$0x10] =	vst v2  }
0x37: {  	v60 =	vld.idx.msk [tilespmem:v0+s14+$0xFFFFFFF0 ss:$0x1], $0xffff;
	s31 =	sadd.s32 $0x800, s15;
	[tilespmem:s15+$0x20] =	vst v6  }
0x38: {  	v61 =	vld.idx.msk [tilespmem:v0+s14+$0x0 ss:$0x1], $0xffff;
	[tilespmem:s31+$0x30] =	vst v56  }
0x39: {  	v62 =	vld.idx.msk [tilespmem:v0+s14+$0x10 ss:$0x1], $0xffff;
	s13 =	sadd.s32 $0x1, s13;
	[tilespmem:s31+$0xFFFFFFC0] =	vst v57  }
0x3a: {  	v63 =	vld.idx.msk [tilespmem:v0+s14+$0x20 ss:$0x1], $0xffff;
	p1 =	sne.s32 s13, $0x10;
	[tilespmem:s31+$0xFFFFFFD0] =	vst v58  }
.Ltmp4:
0x3b: {  	[tilespmem:s31+$0xFFFFFFE0] =	vst v59;
	(pc) =	sbr.rel @p1 .LBB1_3-.Ltmp4, $4  }
0x3c: {  	[tilespmem:s31+$0xFFFFFFF0] =	vst v60  }
0x3d: {  	[tilespmem:s31+$0x0] =	vst v61  }
0x3e: {  	[tilespmem:s31+$0x10] =	vst v62  }
0x3f: {  	s10 =	sadd.s32 $0x80, s10;
	s11 =	sadd.s32 $0x400, s11;
	[tilespmem:s31+$0x20] =	vst v63  }
.Ltmp5:
0x40: {  	(pc) =	sbr.rel .LBB1_7-.Ltmp5, $4  }
0x41: {  	_ = 	snop  }
0x42: {  	s9 =	sshll.u32 s9, $0xB  }
0x43: {  	s9 =	sadd.s32 s2, s9  }
0x44: {  	[hbm4b:s9+s6] =	stream.linear.scatter [tilespmem:s12], [sflag:$0x2], $0x4000, $0x38;
	[tilespmem:$0x10000] =	vst v63  }
.LBB1_8:
0x45: {  	_ =	sfence.sel $0x180000  }
0x46: {  	s2 =	simm.s32 $0x1;
	[bflag:$0x0] =	sbarrier.arrive $0xFFFF  }
0x47: {  	s31 =	simm.s32 $0x2;
	[sflag:s2] =	ssyncpa.u1 $0x1  }
0x48: {  	[sflag:s31] =	ssyncpa.u1 $0x1  }
0x49: {  	p0 =	sne.s32 s1, $0x0;
	_ =	strace $0x90000047  }
0x4a: {  	s0 =	sadd.s32 @!p0 $0x100000, s0;
	[bflag:$0x2] =	sbarrier.arrive $0xFFFF  }
0x4b: {  	[sflag:s0] =	ssyncadd.tile.s32 @!p0 $0x1;
	_ =	shalt  }
.Lfunc_end1:
_tile_overlayer_lowered:
.L_overlay_start_2:
0x4c: {  	(tag) =	ssettag $0x2  }
0x4d: {  	s0 =	rddreg [dreg:$0x0];
	s2 =	stileid.u32  }
0x4e: {  	s1 =	rddreg [dreg:$0x1];
	p0 =	sne.s32 s2, $0x0  }
0x4f: {  	s3 =	rddreg [dreg:$0x2];
	[bflag:$0x3] =	sbarrier.arrive $0xFFFF;
	s2 =	simm.s32 @!p0 $0x1C01  }
0x50: {  	[timem:s3], [sflag:s2] =	dma.local @!p0 [hbm:s0], s1  }
0x51: {  	s0 =	simm.s32 @!p0 $0x1  }
0x52: {  	_ =	swait.ge @!p0 [sflag:s0], s1  }
0x53: {  	s1 =	ssub.s32 @!p0 $0x0, s1;
	[sflag:s0] =	ssyncset.done @!p0 $0x0  }
0x54: {  	[sflag:s0] =	ssyncadd.s32 @!p0 s1  }
0x55: {  	[bflag:$0x3] =	sbarrier.arrive $0xFFFF  }
0x56: {  	_ =	shalt  }

</sc_bundles>
